<compile_context>
chip_gen: v7x
topology: tpu7x:2x2x1
jax: 0.10.2.dev20260603
libtpu: 0.0.44.dev20260713+nightly
codegen_flags: <defaults>
</compile_context>

<pallas_src>
import jax
import jax.numpy as jnp
from jax import lax
from jax.experimental import pallas as pl
from jax.experimental.pallas import tpu as pltpu
from jax.experimental.pallas import tpu_sc as plsc

_N = 20000
_NPAD = 20480
_M = 128
_NCLS = 80
_NFG = 128
_NBG = 384
_NS = 512
_ROWS = _NPAD // 128
_RB = 32
_GRID = _ROWS // _RB
_NTILES = 16
_CH = _NPAD // _NTILES
_NV = _CH // 16


def _tc_body(p_ref, gt_ref, gtc_ref, vals_ref, idxs_ref, cls_ref):
    px0 = p_ref[0]
    py0 = p_ref[1]
    px1 = p_ref[2]
    py1 = p_ref[3]
    parea = (px1 - px0) * (py1 - py0)
    shape = px0.shape

    def body(j, carry):
        bv, bi, bc = carry
        gx0 = gt_ref[j, 0]
        gy0 = gt_ref[j, 1]
        gx1 = gt_ref[j, 2]
        gy1 = gt_ref[j, 3]
        ga = (gx1 - gx0) * (gy1 - gy0)
        w = jnp.maximum(jnp.minimum(gx1, px1) - jnp.maximum(gx0, px0), 0.0)
        h = jnp.maximum(jnp.minimum(gy1, py1) - jnp.maximum(gy0, py0), 0.0)
        inter = w * h
        union = ga + parea - inter
        iou = jnp.where(union > 0, inter / union, 0.0)
        upd = iou > bv
        bv = jnp.where(upd, iou, bv)
        bi = jnp.where(upd, j, bi)
        bc = jnp.where(upd, gtc_ref[j], bc)
        return bv, bi, bc

    init = (jnp.full(shape, -1.0, jnp.float32),
            jnp.zeros(shape, jnp.int32),
            jnp.zeros(shape, jnp.int32))
    bv, bi, bc = lax.fori_loop(0, _M, body, init)
    vals_ref[...] = bv
    idxs_ref[...] = bi
    cls_ref[...] = jnp.where(bv >= 0.5, bc, _NCLS)


def _match_tc(pc, gt, gtc):
    return pl.pallas_call(
        _tc_body,
        grid=(_GRID,),
        in_specs=[
            pl.BlockSpec((4, _RB, 128), lambda i: (0, i, 0)),
            pl.BlockSpec(memory_space=pltpu.SMEM),
            pl.BlockSpec(memory_space=pltpu.SMEM),
        ],
        out_specs=[
            pl.BlockSpec((_RB, 128), lambda i: (i, 0)),
            pl.BlockSpec((_RB, 128), lambda i: (i, 0)),
            pl.BlockSpec((_RB, 128), lambda i: (i, 0)),
        ],
        out_shape=[
            jax.ShapeDtypeStruct((_ROWS, 128), jnp.float32),
            jax.ShapeDtypeStruct((_ROWS, 128), jnp.int32),
            jax.ShapeDtypeStruct((_ROWS, 128), jnp.int32),
        ],
    )(pc, gt, gtc)


def _sc_body(cls_hbm, midx_hbm, prop_hbm, gt_hbm,
             oint, obox, ostg,
             ia, fa, sem):
    cid = lax.axis_index("c")
    tid = lax.axis_index("s")
    on0 = cid == 0
    iota = lax.broadcasted_iota(jnp.int32, (16,), 0)
    zero16 = jnp.zeros((16,), jnp.int32)
    base = tid * _CH
    _LO = 1536
    _CO = 2064

    @pl.when(on0)
    def _pass_count():
        pltpu.sync_copy(cls_hbm.at[pl.ds(base, _CH)], ia.at[pl.ds(0, _CH)])

        def cnt_body(v, carry):
            fc, bc = carry
            c16 = ia[pl.ds(v * 16, 16)]
            g = iota + (base + v * 16)
            valid = g < _N
            fg = jnp.logical_and(c16 != _NCLS, valid)
            bg = jnp.logical_and(c16 == _NCLS, valid)
            fc = fc + plsc.all_reduce_population_count(fg)
            bc = bc + plsc.all_reduce_population_count(bg)
            return fc, bc

        fc, bc = lax.fori_loop(0, _NV, cnt_body, (zero16, zero16))
        ia[pl.ds(10256, 16)] = jnp.where(iota == 0, fc,
                                         jnp.where(iota == 1, bc, 0))
        pltpu.sync_copy(ia.at[pl.ds(10256, 16)], ostg.at[pl.ds(tid * 16, 16)])

    plsc.subcore_barrier()

    @pl.when(on0)
    def _pass_scatter():
        pltpu.sync_copy(ostg.at[pl.ds(0, 256)], ia.at[pl.ds(1280, 256)])
        cvec_f = plsc.load_gather(ia, [iota * 16 + 1280])
        cvec_b = plsc.load_gather(ia, [iota * 16 + 1281])
        pre = iota < tid
        offF = jnp.sum(jnp.where(pre, cvec_f, 0))
        offB = jnp.sum(jnp.where(pre, cvec_b, 0))
        Ft = jnp.sum(cvec_f)
        Bt = jnp.sum(cvec_b)
        for i in range(33):
            ia[pl.ds(_LO + i * 16, 16)] = zero16
        runF0 = jnp.broadcast_to(offF, (16,))
        runB0 = jnp.broadcast_to(offB, (16,))
        FtV = jnp.broadcast_to(Ft, (16,))
        BtV = jnp.broadcast_to(Bt, (16,))

        def scat_body(v, carry):
            runF, runB = carry
            c16 = ia[pl.ds(v * 16, 16)]
            g = iota + (base + v * 16)
            valid = g < _N
            fg = jnp.logical_and(c16 != _NCLS, valid)
            bg = jnp.logical_and(c16 == _NCLS, valid)
            fgi = fg.astype(jnp.int32)
            bgi = bg.astype(jnp.int32)
            pF = runF + jnp.cumsum(fgi) - fgi
            pB = runB + jnp.cumsum(bgi) - bgi
            mA = jnp.logical_and(fg, pF < _NFG)
            sB = FtV + pB
            mB = jnp.logical_and(bg, sB < _NFG)
            mC = jnp.logical_and(bg, pB < _NBG)
            sD = BtV + pF + _NFG
            mD = jnp.logical_and(fg, sD < _NS)
            clamp = lambda x, d: jnp.maximum(jnp.minimum(x, d), 0) + _LO
            plsc.store_scatter(ia, [clamp(pF, 512)], g, mask=mA)
            plsc.store_scatter(ia, [clamp(sB, 513)], g, mask=mB)
            plsc.store_scatter(ia, [clamp(pB + _NFG, 514)], g, mask=mC)
            plsc.store_scatter(ia, [clamp(sD, 515)], g, mask=mD)
            runF = runF + plsc.all_reduce_population_count(fg)
            runB = runB + plsc.all_reduce_population_count(bg)
            return runF, runB

        lax.fori_loop(0, _NV, scat_body, (runF0, runB0))
        pltpu.sync_copy(ia.at[pl.ds(_LO, _NS)],
                        ostg.at[pl.ds(256 + tid * _NS, _NS)])

    plsc.subcore_barrier()

    @pl.when(on0)
    def _merge_gather():
        pltpu.sync_copy(ostg.at[pl.ds(256, _NTILES * _NS)],
                        ia.at[pl.ds(_CO, _NTILES * _NS)])
        cbase = tid * 32
        a0 = zero16
        a1 = zero16
        for r in range(_NTILES):
            a0 = a0 + ia[pl.ds(_CO + r * _NS + cbase, 16)]
            a1 = a1 + ia[pl.ds(_CO + r * _NS + cbase + 16, 16)]
        ia[pl.ds(10256, 16)] = a0
        ia[pl.ds(10272, 16)] = a1
        a0c = jnp.maximum(jnp.minimum(a0, _NPAD - 1), 0)
        a1c = jnp.maximum(jnp.minimum(a1, _NPAD - 1), 0)
        ia[pl.ds(10320, 16)] = a0c
        ia[pl.ds(10336, 16)] = a1c
        for c in range(4):
            ia[pl.ds(10384 + c * 32, 16)] = a0c * 4 + c
            ia[pl.ds(10384 + c * 32 + 16, 16)] = a1c * 4 + c
        gsafe = ia.at[pl.ds(10320, 32)]
        c1 = pltpu.async_copy(cls_hbm.at[gsafe], ia.at[pl.ds(10288, 32)], sem)
        c2 = pltpu.async_copy(midx_hbm.at[gsafe], ia.at[pl.ds(10352, 32)], sem)
        c3 = pltpu.async_copy(prop_hbm.at[ia.at[pl.ds(10384, 128)]],
                              fa.at[pl.ds(0, 128)], sem)
        c1.wait()
        c2.wait()
        c3.wait()
        t0 = jnp.maximum(jnp.minimum(ia[pl.ds(10352, 16)], _M - 1), 0)
        t1 = jnp.maximum(jnp.minimum(ia[pl.ds(10368, 16)], _M - 1), 0)
        for c in range(4):
            ia[pl.ds(10512 + c * 32, 16)] = t0 * 4 + c
            ia[pl.ds(10512 + c * 32 + 16, 16)] = t1 * 4 + c
        pltpu.async_copy(gt_hbm.at[ia.at[pl.ds(10512, 128)]],
                         fa.at[pl.ds(128, 128)], sem).wait()
        pltpu.sync_copy(ia.at[pl.ds(10256, 64)],
                        oint.at[pl.ds(tid * 64, 64)])
        pltpu.sync_copy(fa.at[pl.ds(0, 256)],
                        obox.at[pl.ds(tid * 256, 256)])


def _sample_sc(cls_f, midx_f, prop_pad, gt):
    mesh = plsc.VectorSubcoreMesh(core_axis_name="c", subcore_axis_name="s")
    kern = pl.kernel(
        _sc_body,
        mesh=mesh,
        compiler_params=pltpu.CompilerParams(needs_layout_passes=False),
        out_type=[
            jax.ShapeDtypeStruct((1024,), jnp.int32),
            jax.ShapeDtypeStruct((4096,), jnp.float32),
            jax.ShapeDtypeStruct((256 + _NTILES * _NS,), jnp.int32),
        ],
        scratch_types=[
            pltpu.VMEM((10640,), jnp.int32),
            pltpu.VMEM((256,), jnp.float32),
            pltpu.SemaphoreType.DMA,
        ],
    )
    oint, obox, _ = kern(cls_f, midx_f, prop_pad.reshape(-1),
                         gt.reshape(-1))
    ic = oint.reshape(_NTILES, 2, 32).transpose(1, 0, 2).reshape(2, _NS)
    boxes = obox.reshape(_NTILES, 2, 4, 32).transpose(1, 2, 0, 3).reshape(
        2, 4, _NS)
    return ic[0], ic[1], boxes[1].T, boxes[0].T


def kernel(proposal_boxes, gt_boxes, gt_classes):
    pb = jnp.asarray(proposal_boxes, jnp.float32)
    gt = jnp.asarray(gt_boxes, jnp.float32)
    gtc = jnp.asarray(gt_classes, jnp.int32)
    pb_pad = jnp.concatenate(
        [pb, jnp.zeros((_NPAD - _N, 4), jnp.float32)], axis=0)
    pc = pb_pad.T.reshape(4, _ROWS, 128)
    vals2, idxs2, cls2 = _match_tc(pc, gt, gtc)
    vals = vals2.reshape(_NPAD)[:_N]
    idxs = idxs2.reshape(_NPAD)[:_N]
    s_idx, s_cls, s_gtb, s_pb = _sample_sc(
        cls2.reshape(_NPAD), idxs2.reshape(_NPAD), pb_pad, gt)
    return (vals, idxs, s_idx, s_cls, s_gtb, s_pb)

# --- scband reference (transcript-rebuilt; emitter-appended) ---
"""Pipeline reference for scband-roiheads-65231963291929 (READ-ONLY COPY).

The authoritative reference and input builder live on the scoring server;
editing this copy changes nothing except your own understanding.
"""

import jax, jax.numpy as jnp
import numpy as np

NUM_CLASSES = 80
BATCH_SIZE_PER_IMAGE = 512
POSITIVE_FRACTION = 0.25
IOU_THRESHOLD = 0.5
N_PROPOSALS = 20000
N_GT = 128


def _make_boxes(key, n, img_size=1024.0, max_box=256.0):
    k1, k2 = jax.random.split(key)
    xy = jax.random.uniform(k1, (n, 2), dtype=jnp.float32) * (img_size - max_box)
    wh = jax.random.uniform(k2, (n, 2), dtype=jnp.float32) * max_box + 1.0
    return jnp.concatenate([xy, xy + wh], axis=1)


def setup_inputs(seed: int = 0) -> dict:
    key = jax.random.key(seed)
    k1, k2, k3 = jax.random.split(key, 3)
    proposal_boxes = _make_boxes(k1, N_PROPOSALS)
    gt_boxes = _make_boxes(k2, N_GT)
    gt_classes = jax.random.randint(k3, (N_GT,), 0, NUM_CLASSES, dtype=jnp.int64)
    return {"proposal_boxes": proposal_boxes, "gt_boxes": gt_boxes, "gt_classes": gt_classes}


def _pairwise_iou(boxes1, boxes2):
    # boxes1: [M,4] (gt), boxes2: [N,4] (proposals), xyxy format
    area1 = (boxes1[:, 2] - boxes1[:, 0]) * (boxes1[:, 3] - boxes1[:, 1])
    area2 = (boxes2[:, 2] - boxes2[:, 0]) * (boxes2[:, 3] - boxes2[:, 1])
    lt = jnp.maximum(boxes1[:, None, :2], boxes2[None, :, :2])
    rb = jnp.minimum(boxes1[:, None, 2:], boxes2[None, :, 2:])
    wh = jnp.clip(rb - lt, 0.0)
    inter = wh[..., 0] * wh[..., 1]
    union = area1[:, None] + area2[None, :] - inter
    return jnp.where(union > 0, inter / union, 0.0)


def reference(proposal_boxes, gt_boxes, gt_classes):
    # 1) Match quality matrix between GT and proposals (pairwise_iou)
    match_quality_matrix = _pairwise_iou(gt_boxes, proposal_boxes)  # [M, N]
    # 2) Matcher: best GT per proposal; thresholds=[0.5], labels=[0,1]
    matched_vals = jnp.max(match_quality_matrix, axis=0)            # [N]
    matched_idxs = jnp.argmax(match_quality_matrix, axis=0)         # [N]
    matched_labels = (matched_vals >= IOU_THRESHOLD).astype(jnp.int32)
    # 3) _sample_proposals: assign classification labels
    cls = jnp.take(gt_classes, matched_idxs, axis=0)                # gather
    cls = jnp.where(matched_labels == 0, NUM_CLASSES, cls)          # background label
    # 4) Subsample (deterministic variant of subsample_labels for reproducibility):
    #    pick up to num_fg foreground proposals then fill with background via top_k
    num_fg = int(BATCH_SIZE_PER_IMAGE * POSITIVE_FRACTION)
    num_bg = BATCH_SIZE_PER_IMAGE - num_fg
    fg_mask = (cls != NUM_CLASSES) & (cls >= 0)
    _, sampled_fg_idxs = jax.lax.top_k(fg_mask.astype(jnp.float32), num_fg)
    _, sampled_bg_idxs = jax.lax.top_k((~fg_mask).astype(jnp.float32), num_bg)
    sampled_idxs = jnp.concatenate([sampled_fg_idxs, sampled_bg_idxs], axis=0)
    sampled_gt_classes = jnp.take(cls, sampled_idxs, axis=0)
    sampled_targets = jnp.take(matched_idxs, sampled_idxs, axis=0)
    sampled_gt_boxes = jnp.take(gt_boxes, sampled_targets, axis=0)
    sampled_proposal_boxes = jnp.take(proposal_boxes, sampled_idxs, axis=0)
    return (matched_vals, matched_idxs, sampled_idxs, sampled_gt_classes, sampled_gt_boxes, sampled_proposal_boxes)

if __name__ == "__main__":
    import jax
    _d = setup_inputs()
    print(jax.jit(kernel)(*tuple(_d.values())))

</pallas_src>

<mosaic_0001>
#map = affine_map<(d0, d1) -> (0)>
module attributes {stable_mosaic.version = 14 : i64} {
  func.func @_sc_body(%arg0: i32, %arg1: i32, %arg2: memref<20480xi32, #tpu.memory_space<hbm>>, %arg3: memref<20480xi32, #tpu.memory_space<hbm>>, %arg4: memref<81920xf32, #tpu.memory_space<hbm>>, %arg5: memref<512xf32, #tpu.memory_space<hbm>>, %arg6: memref<1024xi32, #tpu.memory_space<hbm>>, %arg7: memref<4096xf32, #tpu.memory_space<hbm>>, %arg8: memref<8448xi32, #tpu.memory_space<hbm>>, %arg9: memref<10640xi32, #tpu.memory_space<vmem>>, %arg10: memref<256xf32, #tpu.memory_space<vmem>>, %arg11: memref<!tpu.dma_semaphore, #tpu.memory_space<semaphore_mem>>) attributes {dimension_semantics = [#tpu.dimension_semantics<core_parallel>, #tpu.dimension_semantics<subcore_parallel>], iteration_bounds = array<i64: 2, 16>, scalar_prefetch = 0 : i64, scratch_operands = 3 : i64, tpu.core_type = #tpu.core_type<sc_vector_subcore>, window_params = [{transform_indices = #map}, {transform_indices = #map}, {transform_indices = #map}, {transform_indices = #map}, {transform_indices = #map}, {transform_indices = #map}, {transform_indices = #map}]} {
    %eq3A = arith.constant 0 : i32
    %eq3A_0 = arith.cmpi eq, %arg0, %eq3A : i32
    %iota3A = tpu.iota {dimensions = array<i32: 0>} : vector<16xi32>
    %broadcast_in_dim3A = arith.constant 0 : i32
    %broadcast_in_dim3A_1 = vector.broadcast %broadcast_in_dim3A : i32 to vector<16xi32>
    %mul3A = arith.constant 1280 : i32
    %mul3A_2 = arith.muli %arg1, %mul3A : i32
    %convert_element_type3A = arith.extui %eq3A_0 : i1 to i32
    %cond3A = arith.constant 0 : i32
    %cond3A_3 = arith.cmpi ne, %convert_element_type3A, %cond3A : i32
    scf.if %cond3A_3 {
      "tpu.region"() ({
        %run_scoped3A = tpu.sem_alloc : memref<!tpu.dma_semaphore, #tpu.memory_space<semaphore_mem>>
        %dma_start3A = arith.constant 0 : i32
        %dma_start3A_27 = tpu.memref_slice %arg9[%dma_start3A] : memref<10640xi32, #tpu.memory_space<vmem>> -> memref<1280xi32, #tpu.memory_space<vmem>>
        %dma_start3A_28 = tpu.memref_slice %arg2[%mul3A_2] : memref<20480xi32, #tpu.memory_space<hbm>> -> memref<1280xi32, #tpu.memory_space<hbm>>
        %dma_start3A_29 = arith.constant 0 : i32
        %dma_start3A_30 = tpu.memref_slice %arg9[%dma_start3A_29] : memref<10640xi32, #tpu.memory_space<vmem>> -> memref<1280xi32, #tpu.memory_space<vmem>>
        %dma_start3A_31 = tpu.memref_slice %arg2[%mul3A_2] : memref<20480xi32, #tpu.memory_space<hbm>> -> memref<1280xi32, #tpu.memory_space<hbm>>
        tpu.enqueue_dma source(%dma_start3A_31 : memref<1280xi32, #tpu.memory_space<hbm>>) target(%dma_start3A_30 : memref<1280xi32, #tpu.memory_space<vmem>>) target_semaphore(%run_scoped3A : memref<!tpu.dma_semaphore, #tpu.memory_space<semaphore_mem>>)
        %dma_wait3A = arith.constant 0 : i32
        %dma_wait3A_32 = tpu.memref_slice %arg9[%dma_wait3A] : memref<10640xi32, #tpu.memory_space<vmem>> -> memref<1280xi32, #tpu.memory_space<vmem>>
        %dma_wait3A_33 = tpu.memref_slice %arg2[%mul3A_2] : memref<20480xi32, #tpu.memory_space<hbm>> -> memref<1280xi32, #tpu.memory_space<hbm>>
        %dma_wait3A_34 = arith.constant 0 : i32
        %dma_wait3A_35 = tpu.memref_slice %arg9[%dma_wait3A_34] : memref<10640xi32, #tpu.memory_space<vmem>> -> memref<1280xi32, #tpu.memory_space<vmem>>
        %dma_wait3A_36 = tpu.memref_slice %arg2[%mul3A_2] : memref<20480xi32, #tpu.memory_space<hbm>> -> memref<1280xi32, #tpu.memory_space<hbm>>
        tpu.wait_dma2 semaphore(%run_scoped3A : memref<!tpu.dma_semaphore, #tpu.memory_space<semaphore_mem>>) src(%dma_wait3A_36 : memref<1280xi32, #tpu.memory_space<hbm>>) dst(%dma_wait3A_35 : memref<1280xi32, #tpu.memory_space<vmem>>)
        tpu.yield
      }) : () -> ()
      %scan3A = arith.constant 0 : i32
      %scan3A_11 = arith.constant 80 : i32
      %scan3A_12 = arith.addi %scan3A, %scan3A_11 : i32
      %scan3A_13 = arith.constant 1 : i32
      %scan3A_14:2 = scf.for %scan3A_27 = %scan3A to %scan3A_12 step %scan3A_13 iter_args(%scan3A_28 = %broadcast_in_dim3A_1, %scan3A_29 = %broadcast_in_dim3A_1) -> (vector<16xi32>, vector<16xi32>)  : i32 {
        %mul3A_30 = arith.constant 16 : i32
        %mul3A_31 = arith.muli %scan3A_27, %mul3A_30 : i32
        %get3A = arith.index_cast %mul3A_31 : i32 to index
        %get3A_32 = tpu.vector_load %arg9[%get3A] {strides = array<i32>} : memref<10640xi32, #tpu.memory_space<vmem>>, vector<16xi32>,
        %mul3A_33 = arith.constant 16 : i32
        %mul3A_34 = arith.muli %scan3A_27, %mul3A_33 : i32
        %add3A = arith.addi %mul3A_2, %mul3A_34 : i32
        %add3A_35 = vector.broadcast %add3A : i32 to vector<16xi32>
        %add3A_36 = arith.addi %iota3A, %add3A_35 : vector<16xi32>
        %lt3A = arith.constant 20000 : i32
        %lt3A_37 = vector.broadcast %lt3A : i32 to vector<16xi32>
        %lt3A_38 = arith.cmpi slt, %add3A_36, %lt3A_37 : vector<16xi32>
        %ne3A = arith.constant 80 : i32
        %ne3A_39 = vector.broadcast %ne3A : i32 to vector<16xi32>
        %ne3A_40 = arith.cmpi ne, %get3A_32, %ne3A_39 : vector<16xi32>
        %and3A = arith.andi %ne3A_40, %lt3A_38 : vector<16xi1>
        %eq3A_41 = arith.constant 80 : i32
        %eq3A_42 = vector.broadcast %eq3A_41 : i32 to vector<16xi32>
        %eq3A_43 = arith.cmpi eq, %get3A_32, %eq3A_42 : vector<16xi32>
        %and3A_44 = arith.andi %eq3A_43, %lt3A_38 : vector<16xi1>
        %all_reduce_population_count3A = tpu.all_reduce %and3A {dim = 0 : i64, kind = #tpu.reduction_kind<sum>} : vector<16xi1> -> vector<16xi32>
        %add3A_45 = arith.addi %scan3A_28, %all_reduce_population_count3A : vector<16xi32>
        %all_reduce_population_count3A_46 = tpu.all_reduce %and3A_44 {dim = 0 : i64, kind = #tpu.reduction_kind<sum>} : vector<16xi1> -> vector<16xi32>
        %add3A_47 = arith.addi %scan3A_29, %all_reduce_population_count3A_46 : vector<16xi32>
        scf.yield %add3A_45, %add3A_47 : vector<16xi32>, vector<16xi32>
      }
      %scan3A_15 = arith.constant 80 : i32
      %eq3A_16 = arith.constant 0 : i32
      %eq3A_17 = vector.broadcast %eq3A_16 : i32 to vector<16xi32>
      %eq3A_18 = arith.cmpi eq, %iota3A, %eq3A_17 : vector<16xi32>
      %eq3A_19 = arith.constant 1 : i32
      %eq3A_20 = vector.broadcast %eq3A_19 : i32 to vector<16xi32>
      %eq3A_21 = arith.cmpi eq, %iota3A, %eq3A_20 : vector<16xi32>
      %jit3A = arith.constant 0 : i32
      %broadcast_in_dim3A_22 = vector.broadcast %jit3A : i32 to vector<16xi32>
      %select_n3A = arith.select %eq3A_21, %scan3A_14#1, %broadcast_in_dim3A_22 : vector<16xi1>, vector<16xi32>
      %select_n3A_23 = arith.select %eq3A_18, %scan3A_14#0, %select_n3A : vector<16xi1>, vector<16xi32>
      %swap3A = arith.constant 10256 : index
      %swap3A_24 = tpu.vector_load %arg9[%swap3A] {strides = array<i32>} : memref<10640xi32, #tpu.memory_space<vmem>>, vector<16xi32>,
      tpu.vector_store %arg9[%swap3A], %select_n3A_23 {strides = array<i32>} : memref<10640xi32, #tpu.memory_space<vmem>>, vector<16xi32>,
      %mul3A_25 = arith.constant 16 : i32
      %mul3A_26 = arith.muli %arg1, %mul3A_25 : i32
      "tpu.region"() ({
        %run_scoped3A = tpu.sem_alloc : memref<!tpu.dma_semaphore, #tpu.memory_space<semaphore_mem>>
        %dma_start3A = arith.constant 10256 : i32
        %dma_start3A_27 = tpu.memref_slice %arg9[%dma_start3A] : memref<10640xi32, #tpu.memory_space<vmem>> -> memref<16xi32, #tpu.memory_space<vmem>>
        %dma_start3A_28 = tpu.memref_slice %arg8[%mul3A_26] : memref<8448xi32, #tpu.memory_space<hbm>> -> memref<16xi32, #tpu.memory_space<hbm>>
        %dma_start3A_29 = tpu.memref_slice %arg8[%mul3A_26] : memref<8448xi32, #tpu.memory_space<hbm>> -> memref<16xi32, #tpu.memory_space<hbm>>
        %dma_start3A_30 = arith.constant 10256 : i32
        %dma_start3A_31 = tpu.memref_slice %arg9[%dma_start3A_30] : memref<10640xi32, #tpu.memory_space<vmem>> -> memref<16xi32, #tpu.memory_space<vmem>>
        tpu.enqueue_dma source(%dma_start3A_31 : memref<16xi32, #tpu.memory_space<vmem>>) target(%dma_start3A_29 : memref<16xi32, #tpu.memory_space<hbm>>) target_semaphore(%run_scoped3A : memref<!tpu.dma_semaphore, #tpu.memory_space<semaphore_mem>>)
        %dma_wait3A = arith.constant 10256 : i32
        %dma_wait3A_32 = tpu.memref_slice %arg9[%dma_wait3A] : memref<10640xi32, #tpu.memory_space<vmem>> -> memref<16xi32, #tpu.memory_space<vmem>>
        %dma_wait3A_33 = tpu.memref_slice %arg8[%mul3A_26] : memref<8448xi32, #tpu.memory_space<hbm>> -> memref<16xi32, #tpu.memory_space<hbm>>
        %dma_wait3A_34 = tpu.memref_slice %arg8[%mul3A_26] : memref<8448xi32, #tpu.memory_space<hbm>> -> memref<16xi32, #tpu.memory_space<hbm>>
        %dma_wait3A_35 = arith.constant 10256 : i32
        %dma_wait3A_36 = tpu.memref_slice %arg9[%dma_wait3A_35] : memref<10640xi32, #tpu.memory_space<vmem>> -> memref<16xi32, #tpu.memory_space<vmem>>
        tpu.wait_dma2 semaphore(%run_scoped3A : memref<!tpu.dma_semaphore, #tpu.memory_space<semaphore_mem>>) src(%dma_wait3A_36 : memref<16xi32, #tpu.memory_space<vmem>>) dst(%dma_wait3A_34 : memref<16xi32, #tpu.memory_space<hbm>>)
        tpu.yield
      }) : () -> ()
    } else {
    }
    %barrier3A = arith.constant 0 : index
    tpu.barrier barrier_id(%barrier3A)
    %convert_element_type3A_4 = arith.extui %eq3A_0 : i1 to i32
    %cond3A_5 = arith.constant 0 : i32
    %cond3A_6 = arith.cmpi ne, %convert_element_type3A_4, %cond3A_5 : i32
    scf.if %cond3A_6 {
      "tpu.region"() ({
        %run_scoped3A = tpu.sem_alloc : memref<!tpu.dma_semaphore, #tpu.memory_space<semaphore_mem>>
        %dma_start3A = arith.constant 1280 : i32
        %dma_start3A_121 = tpu.memref_slice %arg9[%dma_start3A] : memref<10640xi32, #tpu.memory_space<vmem>> -> memref<256xi32, #tpu.memory_space<vmem>>
        %dma_start3A_122 = arith.constant 0 : i32
        %dma_start3A_123 = tpu.memref_slice %arg8[%dma_start3A_122] : memref<8448xi32, #tpu.memory_space<hbm>> -> memref<256xi32, #tpu.memory_space<hbm>>
        %dma_start3A_124 = arith.constant 1280 : i32
        %dma_start3A_125 = tpu.memref_slice %arg9[%dma_start3A_124] : memref<10640xi32, #tpu.memory_space<vmem>> -> memref<256xi32, #tpu.memory_space<vmem>>
        %dma_start3A_126 = arith.constant 0 : i32
        %dma_start3A_127 = tpu.memref_slice %arg8[%dma_start3A_126] : memref<8448xi32, #tpu.memory_space<hbm>> -> memref<256xi32, #tpu.memory_space<hbm>>
        tpu.enqueue_dma source(%dma_start3A_127 : memref<256xi32, #tpu.memory_space<hbm>>) target(%dma_start3A_125 : memref<256xi32, #tpu.memory_space<vmem>>) target_semaphore(%run_scoped3A : memref<!tpu.dma_semaphore, #tpu.memory_space<semaphore_mem>>)
        %dma_wait3A = arith.constant 1280 : i32
        %dma_wait3A_128 = tpu.memref_slice %arg9[%dma_wait3A] : memref<10640xi32, #tpu.memory_space<vmem>> -> memref<256xi32, #tpu.memory_space<vmem>>
        %dma_wait3A_129 = arith.constant 0 : i32
        %dma_wait3A_130 = tpu.memref_slice %arg8[%dma_wait3A_129] : memref<8448xi32, #tpu.memory_space<hbm>> -> memref<256xi32, #tpu.memory_space<hbm>>
        %dma_wait3A_131 = arith.constant 1280 : i32
        %dma_wait3A_132 = tpu.memref_slice %arg9[%dma_wait3A_131] : memref<10640xi32, #tpu.memory_space<vmem>> -> memref<256xi32, #tpu.memory_space<vmem>>
        %dma_wait3A_133 = arith.constant 0 : i32
        %dma_wait3A_134 = tpu.memref_slice %arg8[%dma_wait3A_133] : memref<8448xi32, #tpu.memory_space<hbm>> -> memref<256xi32, #tpu.memory_space<hbm>>
        tpu.wait_dma2 semaphore(%run_scoped3A : memref<!tpu.dma_semaphore, #tpu.memory_space<semaphore_mem>>) src(%dma_wait3A_134 : memref<256xi32, #tpu.memory_space<hbm>>) dst(%dma_wait3A_132 : memref<256xi32, #tpu.memory_space<vmem>>)
        tpu.yield
      }) : () -> ()
      %mul3A_11 = arith.constant 16 : i32
      %mul3A_12 = vector.broadcast %mul3A_11 : i32 to vector<16xi32>
      %mul3A_13 = arith.muli %iota3A, %mul3A_12 : vector<16xi32>
      %add3A = arith.constant 1280 : i32
      %add3A_14 = vector.broadcast %add3A : i32 to vector<16xi32>
      %add3A_15 = arith.addi %mul3A_13, %add3A_14 : vector<16xi32>
      %gather3A = tpu.vector_load_idx %arg9[%add3A_15] : memref<10640xi32, #tpu.memory_space<vmem>>[vector<16xi32>], vector<16xi32>,
      %mul3A_16 = arith.constant 16 : i32
      %mul3A_17 = vector.broadcast %mul3A_16 : i32 to vector<16xi32>
      %mul3A_18 = arith.muli %iota3A, %mul3A_17 : vector<16xi32>
      %add3A_19 = arith.constant 1281 : i32
      %add3A_20 = vector.broadcast %add3A_19 : i32 to vector<16xi32>
      %add3A_21 = arith.addi %mul3A_18, %add3A_20 : vector<16xi32>
      %gather3A_22 = tpu.vector_load_idx %arg9[%add3A_21] : memref<10640xi32, #tpu.memory_space<vmem>>[vector<16xi32>], vector<16xi32>,
      %lt3A = vector.broadcast %arg1 : i32 to vector<16xi32>
      %lt3A_23 = arith.cmpi slt, %iota3A, %lt3A : vector<16xi32>
      %jit3A = arith.constant 0 : i32
      %broadcast_in_dim3A_24 = vector.broadcast %jit3A : i32 to vector<16xi32>
      %select_n3A = arith.select %lt3A_23, %gather3A, %broadcast_in_dim3A_24 : vector<16xi1>, vector<16xi32>
      %reduce_sum3A = arith.constant true
      %reduce_sum3A_25 = vector.broadcast %reduce_sum3A : i1 to vector<16xi1>
      %reduce_sum3A_26 = tpu.scan <sum>, %select_n3A masked %reduce_sum3A_25 : vector<16xi32>, vector<16xi1> -> vector<16xi32>
      %reduce_sum3A_27 = vector.extract %reduce_sum3A_26[15] : i32 from vector<16xi32>
      %jit3A_28 = arith.constant 0 : i32
      %broadcast_in_dim3A_29 = vector.broadcast %jit3A_28 : i32 to vector<16xi32>
      %select_n3A_30 = arith.select %lt3A_23, %gather3A_22, %broadcast_in_dim3A_29 : vector<16xi1>, vector<16xi32>
      %reduce_sum3A_31 = arith.constant true
      %reduce_sum3A_32 = vector.broadcast %reduce_sum3A_31 : i1 to vector<16xi1>
      %reduce_sum3A_33 = tpu.scan <sum>, %select_n3A_30 masked %reduce_sum3A_32 : vector<16xi32>, vector<16xi1> -> vector<16xi32>
      %reduce_sum3A_34 = vector.extract %reduce_sum3A_33[15] : i32 from vector<16xi32>
      %reduce_sum3A_35 = arith.constant true
      %reduce_sum3A_36 = vector.broadcast %reduce_sum3A_35 : i1 to vector<16xi1>
      %reduce_sum3A_37 = tpu.scan <sum>, %gather3A masked %reduce_sum3A_36 : vector<16xi32>, vector<16xi1> -> vector<16xi32>
      %reduce_sum3A_38 = vector.extract %reduce_sum3A_37[15] : i32 from vector<16xi32>
      %reduce_sum3A_39 = arith.constant true
      %reduce_sum3A_40 = vector.broadcast %reduce_sum3A_39 : i1 to vector<16xi1>
      %reduce_sum3A_41 = tpu.scan <sum>, %gather3A_22 masked %reduce_sum3A_40 : vector<16xi32>, vector<16xi1> -> vector<16xi32>
      %reduce_sum3A_42 = vector.extract %reduce_sum3A_41[15] : i32 from vector<16xi32>
      %swap3A = arith.constant 1536 : index
      %swap3A_43 = tpu.vector_load %arg9[%swap3A] {strides = array<i32>} : memref<10640xi32, #tpu.memory_space<vmem>>, vector<16xi32>,
      tpu.vector_store %arg9[%swap3A], %broadcast_in_dim3A_1 {strides = array<i32>} : memref<10640xi32, #tpu.memory_space<vmem>>, vector<16xi32>,
      %swap3A_44 = arith.constant 1552 : index
      %swap3A_45 = tpu.vector_load %arg9[%swap3A_44] {strides = array<i32>} : memref<10640xi32, #tpu.memory_space<vmem>>, vector<16xi32>,
      tpu.vector_store %arg9[%swap3A_44], %broadcast_in_dim3A_1 {strides = array<i32>} : memref<10640xi32, #tpu.memory_space<vmem>>, vector<16xi32>,
      %swap3A_46 = arith.constant 1568 : index
      %swap3A_47 = tpu.vector_load %arg9[%swap3A_46] {strides = array<i32>} : memref<10640xi32, #tpu.memory_space<vmem>>, vector<16xi32>,
      tpu.vector_store %arg9[%swap3A_46], %broadcast_in_dim3A_1 {strides = array<i32>} : memref<10640xi32, #tpu.memory_space<vmem>>, vector<16xi32>,
      %swap3A_48 = arith.constant 1584 : index
      %swap3A_49 = tpu.vector_load %arg9[%swap3A_48] {strides = array<i32>} : memref<10640xi32, #tpu.memory_space<vmem>>, vector<16xi32>,
      tpu.vector_store %arg9[%swap3A_48], %broadcast_in_dim3A_1 {strides = array<i32>} : memref<10640xi32, #tpu.memory_space<vmem>>, vector<16xi32>,
      %swap3A_50 = arith.constant 1600 : index
      %swap3A_51 = tpu.vector_load %arg9[%swap3A_50] {strides = array<i32>} : memref<10640xi32, #tpu.memory_space<vmem>>, vector<16xi32>,
      tpu.vector_store %arg9[%swap3A_50], %broadcast_in_dim3A_1 {strides = array<i32>} : memref<10640xi32, #tpu.memory_space<vmem>>, vector<16xi32>,
      %swap3A_52 = arith.constant 1616 : index
      %swap3A_53 = tpu.vector_load %arg9[%swap3A_52] {strides = array<i32>} : memref<10640xi32, #tpu.memory_space<vmem>>, vector<16xi32>,
      tpu.vector_store %arg9[%swap3A_52], %broadcast_in_dim3A_1 {strides = array<i32>} : memref<10640xi32, #tpu.memory_space<vmem>>, vector<16xi32>,
      %swap3A_54 = arith.constant 1632 : index
      %swap3A_55 = tpu.vector_load %arg9[%swap3A_54] {strides = array<i32>} : memref<10640xi32, #tpu.memory_space<vmem>>, vector<16xi32>,
      tpu.vector_store %arg9[%swap3A_54], %broadcast_in_dim3A_1 {strides = array<i32>} : memref<10640xi32, #tpu.memory_space<vmem>>, vector<16xi32>,
      %swap3A_56 = arith.constant 1648 : index
      %swap3A_57 = tpu.vector_load %arg9[%swap3A_56] {strides = array<i32>} : memref<10640xi32, #tpu.memory_space<vmem>>, vector<16xi32>,
      tpu.vector_store %arg9[%swap3A_56], %broadcast_in_dim3A_1 {strides = array<i32>} : memref<10640xi32, #tpu.memory_space<vmem>>, vector<16xi32>,
      %swap3A_58 = arith.constant 1664 : index
      %swap3A_59 = tpu.vector_load %arg9[%swap3A_58] {strides = array<i32>} : memref<10640xi32, #tpu.memory_space<vmem>>, vector<16xi32>,
      tpu.vector_store %arg9[%swap3A_58], %broadcast_in_dim3A_1 {strides = array<i32>} : memref<10640xi32, #tpu.memory_space<vmem>>, vector<16xi32>,
      %swap3A_60 = arith.constant 1680 : index
      %swap3A_61 = tpu.vector_load %arg9[%swap3A_60] {strides = array<i32>} : memref<10640xi32, #tpu.memory_space<vmem>>, vector<16xi32>,
      tpu.vector_store %arg9[%swap3A_60], %broadcast_in_dim3A_1 {strides = array<i32>} : memref<10640xi32, #tpu.memory_space<vmem>>, vector<16xi32>,
      %swap3A_62 = arith.constant 1696 : index
      %swap3A_63 = tpu.vector_load %arg9[%swap3A_62] {strides = array<i32>} : memref<10640xi32, #tpu.memory_space<vmem>>, vector<16xi32>,
      tpu.vector_store %arg9[%swap3A_62], %broadcast_in_dim3A_1 {strides = array<i32>} : memref<10640xi32, #tpu.memory_space<vmem>>, vector<16xi32>,
      %swap3A_64 = arith.constant 1712 : index
      %swap3A_65 = tpu.vector_load %arg9[%swap3A_64] {strides = array<i32>} : memref<10640xi32, #tpu.memory_space<vmem>>, vector<16xi32>,
      tpu.vector_store %arg9[%swap3A_64], %broadcast_in_dim3A_1 {strides = array<i32>} : memref<10640xi32, #tpu.memory_space<vmem>>, vector<16xi32>,
      %swap3A_66 = arith.constant 1728 : index
      %swap3A_67 = tpu.vector_load %arg9[%swap3A_66] {strides = array<i32>} : memref<10640xi32, #tpu.memory_space<vmem>>, vector<16xi32>,
      tpu.vector_store %arg9[%swap3A_66], %broadcast_in_dim3A_1 {strides = array<i32>} : memref<10640xi32, #tpu.memory_space<vmem>>, vector<16xi32>,
      %swap3A_68 = arith.constant 1744 : index
      %swap3A_69 = tpu.vector_load %arg9[%swap3A_68] {strides = array<i32>} : memref<10640xi32, #tpu.memory_space<vmem>>, vector<16xi32>,
      tpu.vector_store %arg9[%swap3A_68], %broadcast_in_dim3A_1 {strides = array<i32>} : memref<10640xi32, #tpu.memory_space<vmem>>, vector<16xi32>,
      %swap3A_70 = arith.constant 1760 : index
      %swap3A_71 = tpu.vector_load %arg9[%swap3A_70] {strides = array<i32>} : memref<10640xi32, #tpu.memory_space<vmem>>, vector<16xi32>,
      tpu.vector_store %arg9[%swap3A_70], %broadcast_in_dim3A_1 {strides = array<i32>} : memref<10640xi32, #tpu.memory_space<vmem>>, vector<16xi32>,
      %swap3A_72 = arith.constant 1776 : index
      %swap3A_73 = tpu.vector_load %arg9[%swap3A_72] {strides = array<i32>} : memref<10640xi32, #tpu.memory_space<vmem>>, vector<16xi32>,
      tpu.vector_store %arg9[%swap3A_72], %broadcast_in_dim3A_1 {strides = array<i32>} : memref<10640xi32, #tpu.memory_space<vmem>>, vector<16xi32>,
      %swap3A_74 = arith.constant 1792 : index
      %swap3A_75 = tpu.vector_load %arg9[%swap3A_74] {strides = array<i32>} : memref<10640xi32, #tpu.memory_space<vmem>>, vector<16xi32>,
      tpu.vector_store %arg9[%swap3A_74], %broadcast_in_dim3A_1 {strides = array<i32>} : memref<10640xi32, #tpu.memory_space<vmem>>, vector<16xi32>,
      %swap3A_76 = arith.constant 1808 : index
      %swap3A_77 = tpu.vector_load %arg9[%swap3A_76] {strides = array<i32>} : memref<10640xi32, #tpu.memory_space<vmem>>, vector<16xi32>,
      tpu.vector_store %arg9[%swap3A_76], %broadcast_in_dim3A_1 {strides = array<i32>} : memref<10640xi32, #tpu.memory_space<vmem>>, vector<16xi32>,
      %swap3A_78 = arith.constant 1824 : index
      %swap3A_79 = tpu.vector_load %arg9[%swap3A_78] {strides = array<i32>} : memref<10640xi32, #tpu.memory_space<vmem>>, vector<16xi32>,
      tpu.vector_store %arg9[%swap3A_78], %broadcast_in_dim3A_1 {strides = array<i32>} : memref<10640xi32, #tpu.memory_space<vmem>>, vector<16xi32>,
      %swap3A_80 = arith.constant 1840 : index
      %swap3A_81 = tpu.vector_load %arg9[%swap3A_80] {strides = array<i32>} : memref<10640xi32, #tpu.memory_space<vmem>>, vector<16xi32>,
      tpu.vector_store %arg9[%swap3A_80], %broadcast_in_dim3A_1 {strides = array<i32>} : memref<10640xi32, #tpu.memory_space<vmem>>, vector<16xi32>,
      %swap3A_82 = arith.constant 1856 : index
      %swap3A_83 = tpu.vector_load %arg9[%swap3A_82] {strides = array<i32>} : memref<10640xi32, #tpu.memory_space<vmem>>, vector<16xi32>,
      tpu.vector_store %arg9[%swap3A_82], %broadcast_in_dim3A_1 {strides = array<i32>} : memref<10640xi32, #tpu.memory_space<vmem>>, vector<16xi32>,
      %swap3A_84 = arith.constant 1872 : index
      %swap3A_85 = tpu.vector_load %arg9[%swap3A_84] {strides = array<i32>} : memref<10640xi32, #tpu.memory_space<vmem>>, vector<16xi32>,
      tpu.vector_store %arg9[%swap3A_84], %broadcast_in_dim3A_1 {strides = array<i32>} : memref<10640xi32, #tpu.memory_space<vmem>>, vector<16xi32>,
      %swap3A_86 = arith.constant 1888 : index
      %swap3A_87 = tpu.vector_load %arg9[%swap3A_86] {strides = array<i32>} : memref<10640xi32, #tpu.memory_space<vmem>>, vector<16xi32>,
      tpu.vector_store %arg9[%swap3A_86], %broadcast_in_dim3A_1 {strides = array<i32>} : memref<10640xi32, #tpu.memory_space<vmem>>, vector<16xi32>,
      %swap3A_88 = arith.constant 1904 : index
      %swap3A_89 = tpu.vector_load %arg9[%swap3A_88] {strides = array<i32>} : memref<10640xi32, #tpu.memory_space<vmem>>, vector<16xi32>,
      tpu.vector_store %arg9[%swap3A_88], %broadcast_in_dim3A_1 {strides = array<i32>} : memref<10640xi32, #tpu.memory_space<vmem>>, vector<16xi32>,
      %swap3A_90 = arith.constant 1920 : index
      %swap3A_91 = tpu.vector_load %arg9[%swap3A_90] {strides = array<i32>} : memref<10640xi32, #tpu.memory_space<vmem>>, vector<16xi32>,
      tpu.vector_store %arg9[%swap3A_90], %broadcast_in_dim3A_1 {strides = array<i32>} : memref<10640xi32, #tpu.memory_space<vmem>>, vector<16xi32>,
      %swap3A_92 = arith.constant 1936 : index
      %swap3A_93 = tpu.vector_load %arg9[%swap3A_92] {strides = array<i32>} : memref<10640xi32, #tpu.memory_space<vmem>>, vector<16xi32>,
      tpu.vector_store %arg9[%swap3A_92], %broadcast_in_dim3A_1 {strides = array<i32>} : memref<10640xi32, #tpu.memory_space<vmem>>, vector<16xi32>,
      %swap3A_94 = arith.constant 1952 : index
      %swap3A_95 = tpu.vector_load %arg9[%swap3A_94] {strides = array<i32>} : memref<10640xi32, #tpu.memory_space<vmem>>, vector<16xi32>,
      tpu.vector_store %arg9[%swap3A_94], %broadcast_in_dim3A_1 {strides = array<i32>} : memref<10640xi32, #tpu.memory_space<vmem>>, vector<16xi32>,
      %swap3A_96 = arith.constant 1968 : index
      %swap3A_97 = tpu.vector_load %arg9[%swap3A_96] {strides = array<i32>} : memref<10640xi32, #tpu.memory_space<vmem>>, vector<16xi32>,
      tpu.vector_store %arg9[%swap3A_96], %broadcast_in_dim3A_1 {strides = array<i32>} : memref<10640xi32, #tpu.memory_space<vmem>>, vector<16xi32>,
      %swap3A_98 = arith.constant 1984 : index
      %swap3A_99 = tpu.vector_load %arg9[%swap3A_98] {strides = array<i32>} : memref<10640xi32, #tpu.memory_space<vmem>>, vector<16xi32>,
      tpu.vector_store %arg9[%swap3A_98], %broadcast_in_dim3A_1 {strides = array<i32>} : memref<10640xi32, #tpu.memory_space<vmem>>, vector<16xi32>,
      %swap3A_100 = arith.constant 2000 : index
      %swap3A_101 = tpu.vector_load %arg9[%swap3A_100] {strides = array<i32>} : memref<10640xi32, #tpu.memory_space<vmem>>, vector<16xi32>,
      tpu.vector_store %arg9[%swap3A_100], %broadcast_in_dim3A_1 {strides = array<i32>} : memref<10640xi32, #tpu.memory_space<vmem>>, vector<16xi32>,
      %swap3A_102 = arith.constant 2016 : index
      %swap3A_103 = tpu.vector_load %arg9[%swap3A_102] {strides = array<i32>} : memref<10640xi32, #tpu.memory_space<vmem>>, vector<16xi32>,
      tpu.vector_store %arg9[%swap3A_102], %broadcast_in_dim3A_1 {strides = array<i32>} : memref<10640xi32, #tpu.memory_space<vmem>>, vector<16xi32>,
      %swap3A_104 = arith.constant 2032 : index
      %swap3A_105 = tpu.vector_load %arg9[%swap3A_104] {strides = array<i32>} : memref<10640xi32, #tpu.memory_space<vmem>>, vector<16xi32>,
      tpu.vector_store %arg9[%swap3A_104], %broadcast_in_dim3A_1 {strides = array<i32>} : memref<10640xi32, #tpu.memory_space<vmem>>, vector<16xi32>,
      %swap3A_106 = arith.constant 2048 : index
      %swap3A_107 = tpu.vector_load %arg9[%swap3A_106] {strides = array<i32>} : memref<10640xi32, #tpu.memory_space<vmem>>, vector<16xi32>,
      tpu.vector_store %arg9[%swap3A_106], %broadcast_in_dim3A_1 {strides = array<i32>} : memref<10640xi32, #tpu.memory_space<vmem>>, vector<16xi32>,
      %broadcast_in_dim3A_108 = vector.broadcast %reduce_sum3A_27 : i32 to vector<16xi32>
      %broadcast_in_dim3A_109 = vector.broadcast %reduce_sum3A_34 : i32 to vector<16xi32>
      %broadcast_in_dim3A_110 = vector.broadcast %reduce_sum3A_38 : i32 to vector<16xi32>
      %broadcast_in_dim3A_111 = vector.broadcast %reduce_sum3A_42 : i32 to vector<16xi32>
      %scan3A = arith.constant 0 : i32
      %scan3A_112 = arith.constant 80 : i32
      %scan3A_113 = arith.addi %scan3A, %scan3A_112 : i32
      %scan3A_114 = arith.constant 1 : i32
      %scan3A_115:2 = scf.for %scan3A_121 = %scan3A to %scan3A_113 step %scan3A_114 iter_args(%scan3A_122 = %broadcast_in_dim3A_108, %scan3A_123 = %broadcast_in_dim3A_109) -> (vector<16xi32>, vector<16xi32>)  : i32 {
        %mul3A_124 = arith.constant 16 : i32
        %mul3A_125 = arith.muli %scan3A_121, %mul3A_124 : i32
        %get3A = arith.index_cast %mul3A_125 : i32 to index
        %get3A_126 = tpu.vector_load %arg9[%get3A] {strides = array<i32>} : memref<10640xi32, #tpu.memory_space<vmem>>, vector<16xi32>,
        %mul3A_127 = arith.constant 16 : i32
        %mul3A_128 = arith.muli %scan3A_121, %mul3A_127 : i32
        %add3A_129 = arith.addi %mul3A_2, %mul3A_128 : i32
        %add3A_130 = vector.broadcast %add3A_129 : i32 to vector<16xi32>
        %add3A_131 = arith.addi %iota3A, %add3A_130 : vector<16xi32>
        %lt3A_132 = arith.constant 20000 : i32
        %lt3A_133 = vector.broadcast %lt3A_132 : i32 to vector<16xi32>
        %lt3A_134 = arith.cmpi slt, %add3A_131, %lt3A_133 : vector<16xi32>
        %ne3A = arith.constant 80 : i32
        %ne3A_135 = vector.broadcast %ne3A : i32 to vector<16xi32>
        %ne3A_136 = arith.cmpi ne, %get3A_126, %ne3A_135 : vector<16xi32>
        %and3A = arith.andi %ne3A_136, %lt3A_134 : vector<16xi1>
        %eq3A_137 = arith.constant 80 : i32
        %eq3A_138 = vector.broadcast %eq3A_137 : i32 to vector<16xi32>
        %eq3A_139 = arith.cmpi eq, %get3A_126, %eq3A_138 : vector<16xi32>
        %and3A_140 = arith.andi %eq3A_139, %lt3A_134 : vector<16xi1>
        %convert_element_type3A_141 = arith.extui %and3A : vector<16xi1> to vector<16xi32>
        %convert_element_type3A_142 = arith.extui %and3A_140 : vector<16xi1> to vector<16xi32>
        %cumsum3A = arith.constant true
        %cumsum3A_143 = vector.broadcast %cumsum3A : i1 to vector<16xi1>
        %cumsum3A_144 = tpu.scan <sum>, %convert_element_type3A_141 masked %cumsum3A_143 : vector<16xi32>, vector<16xi1> -> vector<16xi32>
        %add3A_145 = arith.addi %scan3A_122, %cumsum3A_144 : vector<16xi32>
        %sub3A = arith.subi %add3A_145, %convert_element_type3A_141 : vector<16xi32>
        %cumsum3A_146 = arith.constant true
        %cumsum3A_147 = vector.broadcast %cumsum3A_146 : i1 to vector<16xi1>
        %cumsum3A_148 = tpu.scan <sum>, %convert_element_type3A_142 masked %cumsum3A_147 : vector<16xi32>, vector<16xi1> -> vector<16xi32>
        %add3A_149 = arith.addi %scan3A_123, %cumsum3A_148 : vector<16xi32>
        %sub3A_150 = arith.subi %add3A_149, %convert_element_type3A_142 : vector<16xi32>
        %lt3A_151 = arith.constant 128 : i32
        %lt3A_152 = vector.broadcast %lt3A_151 : i32 to vector<16xi32>
        %lt3A_153 = arith.cmpi slt, %sub3A, %lt3A_152 : vector<16xi32>
        %and3A_154 = arith.andi %and3A, %lt3A_153 : vector<16xi1>
        %add3A_155 = arith.addi %broadcast_in_dim3A_110, %sub3A_150 : vector<16xi32>
        %lt3A_156 = arith.constant 128 : i32
        %lt3A_157 = vector.broadcast %lt3A_156 : i32 to vector<16xi32>
        %lt3A_158 = arith.cmpi slt, %add3A_155, %lt3A_157 : vector<16xi32>
        %and3A_159 = arith.andi %and3A_140, %lt3A_158 : vector<16xi1>
        %lt3A_160 = arith.constant 384 : i32
        %lt3A_161 = vector.broadcast %lt3A_160 : i32 to vector<16xi32>
        %lt3A_162 = arith.cmpi slt, %sub3A_150, %lt3A_161 : vector<16xi32>
        %and3A_163 = arith.andi %and3A_140, %lt3A_162 : vector<16xi1>
        %add3A_164 = arith.addi %broadcast_in_dim3A_111, %sub3A : vector<16xi32>
        %add3A_165 = arith.constant 128 : i32
        %add3A_166 = vector.broadcast %add3A_165 : i32 to vector<16xi32>
        %add3A_167 = arith.addi %add3A_164, %add3A_166 : vector<16xi32>
        %lt3A_168 = arith.constant 512 : i32
        %lt3A_169 = vector.broadcast %lt3A_168 : i32 to vector<16xi32>
        %lt3A_170 = arith.cmpi slt, %add3A_167, %lt3A_169 : vector<16xi32>
        %and3A_171 = arith.andi %and3A, %lt3A_170 : vector<16xi1>
        %min3A = arith.constant 512 : i32
        %min3A_172 = vector.broadcast %min3A : i32 to vector<16xi32>
        %min3A_173 = arith.minsi %sub3A, %min3A_172 : vector<16xi32>
        %max3A = arith.constant 0 : i32
        %max3A_174 = vector.broadcast %max3A : i32 to vector<16xi32>
        %max3A_175 = arith.maxsi %min3A_173, %max3A_174 : vector<16xi32>
        %add3A_176 = arith.constant 1536 : i32
        %add3A_177 = vector.broadcast %add3A_176 : i32 to vector<16xi32>
        %add3A_178 = arith.addi %max3A_175, %add3A_177 : vector<16xi32>
        tpu.vector_store_idx %arg9[%add3A_178], %add3A_131 masked %and3A_154 : memref<10640xi32, #tpu.memory_space<vmem>>[vector<16xi32>], vector<16xi32>, vector<16xi1>
        %min3A_179 = arith.constant 513 : i32
        %min3A_180 = vector.broadcast %min3A_179 : i32 to vector<16xi32>
        %min3A_181 = arith.minsi %add3A_155, %min3A_180 : vector<16xi32>
        %max3A_182 = arith.constant 0 : i32
        %max3A_183 = vector.broadcast %max3A_182 : i32 to vector<16xi32>
        %max3A_184 = arith.maxsi %min3A_181, %max3A_183 : vector<16xi32>
        %add3A_185 = arith.constant 1536 : i32
        %add3A_186 = vector.broadcast %add3A_185 : i32 to vector<16xi32>
        %add3A_187 = arith.addi %max3A_184, %add3A_186 : vector<16xi32>
        tpu.vector_store_idx %arg9[%add3A_187], %add3A_131 masked %and3A_159 : memref<10640xi32, #tpu.memory_space<vmem>>[vector<16xi32>], vector<16xi32>, vector<16xi1>
        %add3A_188 = arith.constant 128 : i32
        %add3A_189 = vector.broadcast %add3A_188 : i32 to vector<16xi32>
        %add3A_190 = arith.addi %sub3A_150, %add3A_189 : vector<16xi32>
        %min3A_191 = arith.constant 514 : i32
        %min3A_192 = vector.broadcast %min3A_191 : i32 to vector<16xi32>
        %min3A_193 = arith.minsi %add3A_190, %min3A_192 : vector<16xi32>
        %max3A_194 = arith.constant 0 : i32
        %max3A_195 = vector.broadcast %max3A_194 : i32 to vector<16xi32>
        %max3A_196 = arith.maxsi %min3A_193, %max3A_195 : vector<16xi32>
        %add3A_197 = arith.constant 1536 : i32
        %add3A_198 = vector.broadcast %add3A_197 : i32 to vector<16xi32>
        %add3A_199 = arith.addi %max3A_196, %add3A_198 : vector<16xi32>
        tpu.vector_store_idx %arg9[%add3A_199], %add3A_131 masked %and3A_163 : memref<10640xi32, #tpu.memory_space<vmem>>[vector<16xi32>], vector<16xi32>, vector<16xi1>
        %min3A_200 = arith.constant 515 : i32
        %min3A_201 = vector.broadcast %min3A_200 : i32 to vector<16xi32>
        %min3A_202 = arith.minsi %add3A_167, %min3A_201 : vector<16xi32>
        %max3A_203 = arith.constant 0 : i32
        %max3A_204 = vector.broadcast %max3A_203 : i32 to vector<16xi32>
        %max3A_205 = arith.maxsi %min3A_202, %max3A_204 : vector<16xi32>
        %add3A_206 = arith.constant 1536 : i32
        %add3A_207 = vector.broadcast %add3A_206 : i32 to vector<16xi32>
        %add3A_208 = arith.addi %max3A_205, %add3A_207 : vector<16xi32>
        tpu.vector_store_idx %arg9[%add3A_208], %add3A_131 masked %and3A_171 : memref<10640xi32, #tpu.memory_space<vmem>>[vector<16xi32>], vector<16xi32>, vector<16xi1>
        %all_reduce_population_count3A = tpu.all_reduce %and3A {dim = 0 : i64, kind = #tpu.reduction_kind<sum>} : vector<16xi1> -> vector<16xi32>
        %add3A_209 = arith.addi %scan3A_122, %all_reduce_population_count3A : vector<16xi32>
        %all_reduce_population_count3A_210 = tpu.all_reduce %and3A_140 {dim = 0 : i64, kind = #tpu.reduction_kind<sum>} : vector<16xi1> -> vector<16xi32>
        %add3A_211 = arith.addi %scan3A_123, %all_reduce_population_count3A_210 : vector<16xi32>
        scf.yield %add3A_209, %add3A_211 : vector<16xi32>, vector<16xi32>
      }
      %scan3A_116 = arith.constant 80 : i32
      %mul3A_117 = arith.constant 512 : i32
      %mul3A_118 = arith.muli %arg1, %mul3A_117 : i32
      %add3A_119 = arith.constant 256 : i32
      %add3A_120 = arith.addi %add3A_119, %mul3A_118 : i32
      "tpu.region"() ({
        %run_scoped3A = tpu.sem_alloc : memref<!tpu.dma_semaphore, #tpu.memory_space<semaphore_mem>>
        %dma_start3A = arith.constant 1536 : i32
        %dma_start3A_121 = tpu.memref_slice %arg9[%dma_start3A] : memref<10640xi32, #tpu.memory_space<vmem>> -> memref<512xi32, #tpu.memory_space<vmem>>
        %dma_start3A_122 = tpu.memref_slice %arg8[%add3A_120] : memref<8448xi32, #tpu.memory_space<hbm>> -> memref<512xi32, #tpu.memory_space<hbm>>
        %dma_start3A_123 = tpu.memref_slice %arg8[%add3A_120] : memref<8448xi32, #tpu.memory_space<hbm>> -> memref<512xi32, #tpu.memory_space<hbm>>
        %dma_start3A_124 = arith.constant 1536 : i32
        %dma_start3A_125 = tpu.memref_slice %arg9[%dma_start3A_124] : memref<10640xi32, #tpu.memory_space<vmem>> -> memref<512xi32, #tpu.memory_space<vmem>>
        tpu.enqueue_dma source(%dma_start3A_125 : memref<512xi32, #tpu.memory_space<vmem>>) target(%dma_start3A_123 : memref<512xi32, #tpu.memory_space<hbm>>) target_semaphore(%run_scoped3A : memref<!tpu.dma_semaphore, #tpu.memory_space<semaphore_mem>>)
        %dma_wait3A = arith.constant 1536 : i32
        %dma_wait3A_126 = tpu.memref_slice %arg9[%dma_wait3A] : memref<10640xi32, #tpu.memory_space<vmem>> -> memref<512xi32, #tpu.memory_space<vmem>>
        %dma_wait3A_127 = tpu.memref_slice %arg8[%add3A_120] : memref<8448xi32, #tpu.memory_space<hbm>> -> memref<512xi32, #tpu.memory_space<hbm>>
        %dma_wait3A_128 = tpu.memref_slice %arg8[%add3A_120] : memref<8448xi32, #tpu.memory_space<hbm>> -> memref<512xi32, #tpu.memory_space<hbm>>
        %dma_wait3A_129 = arith.constant 1536 : i32
        %dma_wait3A_130 = tpu.memref_slice %arg9[%dma_wait3A_129] : memref<10640xi32, #tpu.memory_space<vmem>> -> memref<512xi32, #tpu.memory_space<vmem>>
        tpu.wait_dma2 semaphore(%run_scoped3A : memref<!tpu.dma_semaphore, #tpu.memory_space<semaphore_mem>>) src(%dma_wait3A_130 : memref<512xi32, #tpu.memory_space<vmem>>) dst(%dma_wait3A_128 : memref<512xi32, #tpu.memory_space<hbm>>)
        tpu.yield
      }) : () -> ()
    } else {
    }
    %barrier3A_7 = arith.constant 0 : index
    tpu.barrier barrier_id(%barrier3A_7)
    %convert_element_type3A_8 = arith.extui %eq3A_0 : i1 to i32
    %cond3A_9 = arith.constant 0 : i32
    %cond3A_10 = arith.cmpi ne, %convert_element_type3A_8, %cond3A_9 : i32
    scf.if %cond3A_10 {
      "tpu.region"() ({
        %run_scoped3A = tpu.sem_alloc : memref<!tpu.dma_semaphore, #tpu.memory_space<semaphore_mem>>
        %dma_start3A_414 = arith.constant 2064 : i32
        %dma_start3A_415 = tpu.memref_slice %arg9[%dma_start3A_414] : memref<10640xi32, #tpu.memory_space<vmem>> -> memref<8192xi32, #tpu.memory_space<vmem>>
        %dma_start3A_416 = arith.constant 256 : i32
        %dma_start3A_417 = tpu.memref_slice %arg8[%dma_start3A_416] : memref<8448xi32, #tpu.memory_space<hbm>> -> memref<8192xi32, #tpu.memory_space<hbm>>
        %dma_start3A_418 = arith.constant 2064 : i32
        %dma_start3A_419 = tpu.memref_slice %arg9[%dma_start3A_418] : memref<10640xi32, #tpu.memory_space<vmem>> -> memref<8192xi32, #tpu.memory_space<vmem>>
        %dma_start3A_420 = arith.constant 256 : i32
        %dma_start3A_421 = tpu.memref_slice %arg8[%dma_start3A_420] : memref<8448xi32, #tpu.memory_space<hbm>> -> memref<8192xi32, #tpu.memory_space<hbm>>
        tpu.enqueue_dma source(%dma_start3A_421 : memref<8192xi32, #tpu.memory_space<hbm>>) target(%dma_start3A_419 : memref<8192xi32, #tpu.memory_space<vmem>>) target_semaphore(%run_scoped3A : memref<!tpu.dma_semaphore, #tpu.memory_space<semaphore_mem>>)
        %dma_wait3A_422 = arith.constant 2064 : i32
        %dma_wait3A_423 = tpu.memref_slice %arg9[%dma_wait3A_422] : memref<10640xi32, #tpu.memory_space<vmem>> -> memref<8192xi32, #tpu.memory_space<vmem>>
        %dma_wait3A_424 = arith.constant 256 : i32
        %dma_wait3A_425 = tpu.memref_slice %arg8[%dma_wait3A_424] : memref<8448xi32, #tpu.memory_space<hbm>> -> memref<8192xi32, #tpu.memory_space<hbm>>
        %dma_wait3A_426 = arith.constant 2064 : i32
        %dma_wait3A_427 = tpu.memref_slice %arg9[%dma_wait3A_426] : memref<10640xi32, #tpu.memory_space<vmem>> -> memref<8192xi32, #tpu.memory_space<vmem>>
        %dma_wait3A_428 = arith.constant 256 : i32
        %dma_wait3A_429 = tpu.memref_slice %arg8[%dma_wait3A_428] : memref<8448xi32, #tpu.memory_space<hbm>> -> memref<8192xi32, #tpu.memory_space<hbm>>
        tpu.wait_dma2 semaphore(%run_scoped3A : memref<!tpu.dma_semaphore, #tpu.memory_space<semaphore_mem>>) src(%dma_wait3A_429 : memref<8192xi32, #tpu.memory_space<hbm>>) dst(%dma_wait3A_427 : memref<8192xi32, #tpu.memory_space<vmem>>)
        tpu.yield
      }) : () -> ()
      %mul3A_11 = arith.constant 32 : i32
      %mul3A_12 = arith.muli %arg1, %mul3A_11 : i32
      %add3A = arith.constant 2064 : i32
      %add3A_13 = arith.addi %add3A, %mul3A_12 : i32
      %get3A = arith.index_cast %add3A_13 : i32 to index
      %get3A_14 = tpu.vector_load %arg9[%get3A] {strides = array<i32>} : memref<10640xi32, #tpu.memory_space<vmem>>, vector<16xi32>,
      %add3A_15 = arith.addi %broadcast_in_dim3A_1, %get3A_14 : vector<16xi32>
      %add3A_16 = arith.constant 2064 : i32
      %add3A_17 = arith.addi %add3A_16, %mul3A_12 : i32
      %add3A_18 = arith.constant 16 : i32
      %add3A_19 = arith.addi %add3A_17, %add3A_18 : i32
      %get3A_20 = arith.index_cast %add3A_19 : i32 to index
      %get3A_21 = tpu.vector_load %arg9[%get3A_20] {strides = array<i32>} : memref<10640xi32, #tpu.memory_space<vmem>>, vector<16xi32>,
      %add3A_22 = arith.addi %broadcast_in_dim3A_1, %get3A_21 : vector<16xi32>
      %add3A_23 = arith.constant 2576 : i32
      %add3A_24 = arith.addi %add3A_23, %mul3A_12 : i32
      %get3A_25 = arith.index_cast %add3A_24 : i32 to index
      %get3A_26 = tpu.vector_load %arg9[%get3A_25] {strides = array<i32>} : memref<10640xi32, #tpu.memory_space<vmem>>, vector<16xi32>,
      %add3A_27 = arith.addi %add3A_15, %get3A_26 : vector<16xi32>
      %add3A_28 = arith.constant 2576 : i32
      %add3A_29 = arith.addi %add3A_28, %mul3A_12 : i32
      %add3A_30 = arith.constant 16 : i32
      %add3A_31 = arith.addi %add3A_29, %add3A_30 : i32
      %get3A_32 = arith.index_cast %add3A_31 : i32 to index
      %get3A_33 = tpu.vector_load %arg9[%get3A_32] {strides = array<i32>} : memref<10640xi32, #tpu.memory_space<vmem>>, vector<16xi32>,
      %add3A_34 = arith.addi %add3A_22, %get3A_33 : vector<16xi32>
      %add3A_35 = arith.constant 3088 : i32
      %add3A_36 = arith.addi %add3A_35, %mul3A_12 : i32
      %get3A_37 = arith.index_cast %add3A_36 : i32 to index
      %get3A_38 = tpu.vector_load %arg9[%get3A_37] {strides = array<i32>} : memref<10640xi32, #tpu.memory_space<vmem>>, vector<16xi32>,
      %add3A_39 = arith.addi %add3A_27, %get3A_38 : vector<16xi32>
      %add3A_40 = arith.constant 3088 : i32
      %add3A_41 = arith.addi %add3A_40, %mul3A_12 : i32
      %add3A_42 = arith.constant 16 : i32
      %add3A_43 = arith.addi %add3A_41, %add3A_42 : i32
      %get3A_44 = arith.index_cast %add3A_43 : i32 to index
      %get3A_45 = tpu.vector_load %arg9[%get3A_44] {strides = array<i32>} : memref<10640xi32, #tpu.memory_space<vmem>>, vector<16xi32>,
      %add3A_46 = arith.addi %add3A_34, %get3A_45 : vector<16xi32>
      %add3A_47 = arith.constant 3600 : i32
      %add3A_48 = arith.addi %add3A_47, %mul3A_12 : i32
      %get3A_49 = arith.index_cast %add3A_48 : i32 to index
      %get3A_50 = tpu.vector_load %arg9[%get3A_49] {strides = array<i32>} : memref<10640xi32, #tpu.memory_space<vmem>>, vector<16xi32>,
      %add3A_51 = arith.addi %add3A_39, %get3A_50 : vector<16xi32>
      %add3A_52 = arith.constant 3600 : i32
      %add3A_53 = arith.addi %add3A_52, %mul3A_12 : i32
      %add3A_54 = arith.constant 16 : i32
      %add3A_55 = arith.addi %add3A_53, %add3A_54 : i32
      %get3A_56 = arith.index_cast %add3A_55 : i32 to index
      %get3A_57 = tpu.vector_load %arg9[%get3A_56] {strides = array<i32>} : memref<10640xi32, #tpu.memory_space<vmem>>, vector<16xi32>,
      %add3A_58 = arith.addi %add3A_46, %get3A_57 : vector<16xi32>
      %add3A_59 = arith.constant 4112 : i32
      %add3A_60 = arith.addi %add3A_59, %mul3A_12 : i32
      %get3A_61 = arith.index_cast %add3A_60 : i32 to index
      %get3A_62 = tpu.vector_load %arg9[%get3A_61] {strides = array<i32>} : memref<10640xi32, #tpu.memory_space<vmem>>, vector<16xi32>,
      %add3A_63 = arith.addi %add3A_51, %get3A_62 : vector<16xi32>
      %add3A_64 = arith.constant 4112 : i32
      %add3A_65 = arith.addi %add3A_64, %mul3A_12 : i32
      %add3A_66 = arith.constant 16 : i32
      %add3A_67 = arith.addi %add3A_65, %add3A_66 : i32
      %get3A_68 = arith.index_cast %add3A_67 : i32 to index
      %get3A_69 = tpu.vector_load %arg9[%get3A_68] {strides = array<i32>} : memref<10640xi32, #tpu.memory_space<vmem>>, vector<16xi32>,
      %add3A_70 = arith.addi %add3A_58, %get3A_69 : vector<16xi32>
      %add3A_71 = arith.constant 4624 : i32
      %add3A_72 = arith.addi %add3A_71, %mul3A_12 : i32
      %get3A_73 = arith.index_cast %add3A_72 : i32 to index
      %get3A_74 = tpu.vector_load %arg9[%get3A_73] {strides = array<i32>} : memref<10640xi32, #tpu.memory_space<vmem>>, vector<16xi32>,
      %add3A_75 = arith.addi %add3A_63, %get3A_74 : vector<16xi32>
      %add3A_76 = arith.constant 4624 : i32
      %add3A_77 = arith.addi %add3A_76, %mul3A_12 : i32
      %add3A_78 = arith.constant 16 : i32
      %add3A_79 = arith.addi %add3A_77, %add3A_78 : i32
      %get3A_80 = arith.index_cast %add3A_79 : i32 to index
      %get3A_81 = tpu.vector_load %arg9[%get3A_80] {strides = array<i32>} : memref<10640xi32, #tpu.memory_space<vmem>>, vector<16xi32>,
      %add3A_82 = arith.addi %add3A_70, %get3A_81 : vector<16xi32>
      %add3A_83 = arith.constant 5136 : i32
      %add3A_84 = arith.addi %add3A_83, %mul3A_12 : i32
      %get3A_85 = arith.index_cast %add3A_84 : i32 to index
      %get3A_86 = tpu.vector_load %arg9[%get3A_85] {strides = array<i32>} : memref<10640xi32, #tpu.memory_space<vmem>>, vector<16xi32>,
      %add3A_87 = arith.addi %add3A_75, %get3A_86 : vector<16xi32>
      %add3A_88 = arith.constant 5136 : i32
      %add3A_89 = arith.addi %add3A_88, %mul3A_12 : i32
      %add3A_90 = arith.constant 16 : i32
      %add3A_91 = arith.addi %add3A_89, %add3A_90 : i32
      %get3A_92 = arith.index_cast %add3A_91 : i32 to index
      %get3A_93 = tpu.vector_load %arg9[%get3A_92] {strides = array<i32>} : memref<10640xi32, #tpu.memory_space<vmem>>, vector<16xi32>,
      %add3A_94 = arith.addi %add3A_82, %get3A_93 : vector<16xi32>
      %add3A_95 = arith.constant 5648 : i32
      %add3A_96 = arith.addi %add3A_95, %mul3A_12 : i32
      %get3A_97 = arith.index_cast %add3A_96 : i32 to index
      %get3A_98 = tpu.vector_load %arg9[%get3A_97] {strides = array<i32>} : memref<10640xi32, #tpu.memory_space<vmem>>, vector<16xi32>,
      %add3A_99 = arith.addi %add3A_87, %get3A_98 : vector<16xi32>
      %add3A_100 = arith.constant 5648 : i32
      %add3A_101 = arith.addi %add3A_100, %mul3A_12 : i32
      %add3A_102 = arith.constant 16 : i32
      %add3A_103 = arith.addi %add3A_101, %add3A_102 : i32
      %get3A_104 = arith.index_cast %add3A_103 : i32 to index
      %get3A_105 = tpu.vector_load %arg9[%get3A_104] {strides = array<i32>} : memref<10640xi32, #tpu.memory_space<vmem>>, vector<16xi32>,
      %add3A_106 = arith.addi %add3A_94, %get3A_105 : vector<16xi32>
      %add3A_107 = arith.constant 6160 : i32
      %add3A_108 = arith.addi %add3A_107, %mul3A_12 : i32
      %get3A_109 = arith.index_cast %add3A_108 : i32 to index
      %get3A_110 = tpu.vector_load %arg9[%get3A_109] {strides = array<i32>} : memref<10640xi32, #tpu.memory_space<vmem>>, vector<16xi32>,
      %add3A_111 = arith.addi %add3A_99, %get3A_110 : vector<16xi32>
      %add3A_112 = arith.constant 6160 : i32
      %add3A_113 = arith.addi %add3A_112, %mul3A_12 : i32
      %add3A_114 = arith.constant 16 : i32
      %add3A_115 = arith.addi %add3A_113, %add3A_114 : i32
      %get3A_116 = arith.index_cast %add3A_115 : i32 to index
      %get3A_117 = tpu.vector_load %arg9[%get3A_116] {strides = array<i32>} : memref<10640xi32, #tpu.memory_space<vmem>>, vector<16xi32>,
      %add3A_118 = arith.addi %add3A_106, %get3A_117 : vector<16xi32>
      %add3A_119 = arith.constant 6672 : i32
      %add3A_120 = arith.addi %add3A_119, %mul3A_12 : i32
      %get3A_121 = arith.index_cast %add3A_120 : i32 to index
      %get3A_122 = tpu.vector_load %arg9[%get3A_121] {strides = array<i32>} : memref<10640xi32, #tpu.memory_space<vmem>>, vector<16xi32>,
      %add3A_123 = arith.addi %add3A_111, %get3A_122 : vector<16xi32>
      %add3A_124 = arith.constant 6672 : i32
      %add3A_125 = arith.addi %add3A_124, %mul3A_12 : i32
      %add3A_126 = arith.constant 16 : i32
      %add3A_127 = arith.addi %add3A_125, %add3A_126 : i32
      %get3A_128 = arith.index_cast %add3A_127 : i32 to index
      %get3A_129 = tpu.vector_load %arg9[%get3A_128] {strides = array<i32>} : memref<10640xi32, #tpu.memory_space<vmem>>, vector<16xi32>,
      %add3A_130 = arith.addi %add3A_118, %get3A_129 : vector<16xi32>
      %add3A_131 = arith.constant 7184 : i32
      %add3A_132 = arith.addi %add3A_131, %mul3A_12 : i32
      %get3A_133 = arith.index_cast %add3A_132 : i32 to index
      %get3A_134 = tpu.vector_load %arg9[%get3A_133] {strides = array<i32>} : memref<10640xi32, #tpu.memory_space<vmem>>, vector<16xi32>,
      %add3A_135 = arith.addi %add3A_123, %get3A_134 : vector<16xi32>
      %add3A_136 = arith.constant 7184 : i32
      %add3A_137 = arith.addi %add3A_136, %mul3A_12 : i32
      %add3A_138 = arith.constant 16 : i32
      %add3A_139 = arith.addi %add3A_137, %add3A_138 : i32
      %get3A_140 = arith.index_cast %add3A_139 : i32 to index
      %get3A_141 = tpu.vector_load %arg9[%get3A_140] {strides = array<i32>} : memref<10640xi32, #tpu.memory_space<vmem>>, vector<16xi32>,
      %add3A_142 = arith.addi %add3A_130, %get3A_141 : vector<16xi32>
      %add3A_143 = arith.constant 7696 : i32
      %add3A_144 = arith.addi %add3A_143, %mul3A_12 : i32
      %get3A_145 = arith.index_cast %add3A_144 : i32 to index
      %get3A_146 = tpu.vector_load %arg9[%get3A_145] {strides = array<i32>} : memref<10640xi32, #tpu.memory_space<vmem>>, vector<16xi32>,
      %add3A_147 = arith.addi %add3A_135, %get3A_146 : vector<16xi32>
      %add3A_148 = arith.constant 7696 : i32
      %add3A_149 = arith.addi %add3A_148, %mul3A_12 : i32
      %add3A_150 = arith.constant 16 : i32
      %add3A_151 = arith.addi %add3A_149, %add3A_150 : i32
      %get3A_152 = arith.index_cast %add3A_151 : i32 to index
      %get3A_153 = tpu.vector_load %arg9[%get3A_152] {strides = array<i32>} : memref<10640xi32, #tpu.memory_space<vmem>>, vector<16xi32>,
      %add3A_154 = arith.addi %add3A_142, %get3A_153 : vector<16xi32>
      %add3A_155 = arith.constant 8208 : i32
      %add3A_156 = arith.addi %add3A_155, %mul3A_12 : i32
      %get3A_157 = arith.index_cast %add3A_156 : i32 to index
      %get3A_158 = tpu.vector_load %arg9[%get3A_157] {strides = array<i32>} : memref<10640xi32, #tpu.memory_space<vmem>>, vector<16xi32>,
      %add3A_159 = arith.addi %add3A_147, %get3A_158 : vector<16xi32>
      %add3A_160 = arith.constant 8208 : i32
      %add3A_161 = arith.addi %add3A_160, %mul3A_12 : i32
      %add3A_162 = arith.constant 16 : i32
      %add3A_163 = arith.addi %add3A_161, %add3A_162 : i32
      %get3A_164 = arith.index_cast %add3A_163 : i32 to index
      %get3A_165 = tpu.vector_load %arg9[%get3A_164] {strides = array<i32>} : memref<10640xi32, #tpu.memory_space<vmem>>, vector<16xi32>,
      %add3A_166 = arith.addi %add3A_154, %get3A_165 : vector<16xi32>
      %add3A_167 = arith.constant 8720 : i32
      %add3A_168 = arith.addi %add3A_167, %mul3A_12 : i32
      %get3A_169 = arith.index_cast %add3A_168 : i32 to index
      %get3A_170 = tpu.vector_load %arg9[%get3A_169] {strides = array<i32>} : memref<10640xi32, #tpu.memory_space<vmem>>, vector<16xi32>,
      %add3A_171 = arith.addi %add3A_159, %get3A_170 : vector<16xi32>
      %add3A_172 = arith.constant 8720 : i32
      %add3A_173 = arith.addi %add3A_172, %mul3A_12 : i32
      %add3A_174 = arith.constant 16 : i32
      %add3A_175 = arith.addi %add3A_173, %add3A_174 : i32
      %get3A_176 = arith.index_cast %add3A_175 : i32 to index
      %get3A_177 = tpu.vector_load %arg9[%get3A_176] {strides = array<i32>} : memref<10640xi32, #tpu.memory_space<vmem>>, vector<16xi32>,
      %add3A_178 = arith.addi %add3A_166, %get3A_177 : vector<16xi32>
      %add3A_179 = arith.constant 9232 : i32
      %add3A_180 = arith.addi %add3A_179, %mul3A_12 : i32
      %get3A_181 = arith.index_cast %add3A_180 : i32 to index
      %get3A_182 = tpu.vector_load %arg9[%get3A_181] {strides = array<i32>} : memref<10640xi32, #tpu.memory_space<vmem>>, vector<16xi32>,
      %add3A_183 = arith.addi %add3A_171, %get3A_182 : vector<16xi32>
      %add3A_184 = arith.constant 9232 : i32
      %add3A_185 = arith.addi %add3A_184, %mul3A_12 : i32
      %add3A_186 = arith.constant 16 : i32
      %add3A_187 = arith.addi %add3A_185, %add3A_186 : i32
      %get3A_188 = arith.index_cast %add3A_187 : i32 to index
      %get3A_189 = tpu.vector_load %arg9[%get3A_188] {strides = array<i32>} : memref<10640xi32, #tpu.memory_space<vmem>>, vector<16xi32>,
      %add3A_190 = arith.addi %add3A_178, %get3A_189 : vector<16xi32>
      %add3A_191 = arith.constant 9744 : i32
      %add3A_192 = arith.addi %add3A_191, %mul3A_12 : i32
      %get3A_193 = arith.index_cast %add3A_192 : i32 to index
      %get3A_194 = tpu.vector_load %arg9[%get3A_193] {strides = array<i32>} : memref<10640xi32, #tpu.memory_space<vmem>>, vector<16xi32>,
      %add3A_195 = arith.addi %add3A_183, %get3A_194 : vector<16xi32>
      %add3A_196 = arith.constant 9744 : i32
      %add3A_197 = arith.addi %add3A_196, %mul3A_12 : i32
      %add3A_198 = arith.constant 16 : i32
      %add3A_199 = arith.addi %add3A_197, %add3A_198 : i32
      %get3A_200 = arith.index_cast %add3A_199 : i32 to index
      %get3A_201 = tpu.vector_load %arg9[%get3A_200] {strides = array<i32>} : memref<10640xi32, #tpu.memory_space<vmem>>, vector<16xi32>,
      %add3A_202 = arith.addi %add3A_190, %get3A_201 : vector<16xi32>
      %swap3A = arith.constant 10256 : index
      %swap3A_203 = tpu.vector_load %arg9[%swap3A] {strides = array<i32>} : memref<10640xi32, #tpu.memory_space<vmem>>, vector<16xi32>,
      tpu.vector_store %arg9[%swap3A], %add3A_195 {strides = array<i32>} : memref<10640xi32, #tpu.memory_space<vmem>>, vector<16xi32>,
      %swap3A_204 = arith.constant 10272 : index
      %swap3A_205 = tpu.vector_load %arg9[%swap3A_204] {strides = array<i32>} : memref<10640xi32, #tpu.memory_space<vmem>>, vector<16xi32>,
      tpu.vector_store %arg9[%swap3A_204], %add3A_202 {strides = array<i32>} : memref<10640xi32, #tpu.memory_space<vmem>>, vector<16xi32>,
      %min3A = arith.constant 20479 : i32
      %min3A_206 = vector.broadcast %min3A : i32 to vector<16xi32>
      %min3A_207 = arith.minsi %add3A_195, %min3A_206 : vector<16xi32>
      %max3A = arith.constant 0 : i32
      %max3A_208 = vector.broadcast %max3A : i32 to vector<16xi32>
      %max3A_209 = arith.maxsi %min3A_207, %max3A_208 : vector<16xi32>
      %min3A_210 = arith.constant 20479 : i32
      %min3A_211 = vector.broadcast %min3A_210 : i32 to vector<16xi32>
      %min3A_212 = arith.minsi %add3A_202, %min3A_211 : vector<16xi32>
      %max3A_213 = arith.constant 0 : i32
      %max3A_214 = vector.broadcast %max3A_213 : i32 to vector<16xi32>
      %max3A_215 = arith.maxsi %min3A_212, %max3A_214 : vector<16xi32>
      %swap3A_216 = arith.constant 10320 : index
      %swap3A_217 = tpu.vector_load %arg9[%swap3A_216] {strides = array<i32>} : memref<10640xi32, #tpu.memory_space<vmem>>, vector<16xi32>,
      tpu.vector_store %arg9[%swap3A_216], %max3A_209 {strides = array<i32>} : memref<10640xi32, #tpu.memory_space<vmem>>, vector<16xi32>,
      %swap3A_218 = arith.constant 10336 : index
      %swap3A_219 = tpu.vector_load %arg9[%swap3A_218] {strides = array<i32>} : memref<10640xi32, #tpu.memory_space<vmem>>, vector<16xi32>,
      tpu.vector_store %arg9[%swap3A_218], %max3A_215 {strides = array<i32>} : memref<10640xi32, #tpu.memory_space<vmem>>, vector<16xi32>,
      %mul3A_220 = arith.constant 4 : i32
      %mul3A_221 = vector.broadcast %mul3A_220 : i32 to vector<16xi32>
      %mul3A_222 = arith.muli %max3A_209, %mul3A_221 : vector<16xi32>
      %add3A_223 = arith.constant 0 : i32
      %add3A_224 = vector.broadcast %add3A_223 : i32 to vector<16xi32>
      %add3A_225 = arith.addi %mul3A_222, %add3A_224 : vector<16xi32>
      %swap3A_226 = arith.constant 10384 : index
      %swap3A_227 = tpu.vector_load %arg9[%swap3A_226] {strides = array<i32>} : memref<10640xi32, #tpu.memory_space<vmem>>, vector<16xi32>,
      tpu.vector_store %arg9[%swap3A_226], %add3A_225 {strides = array<i32>} : memref<10640xi32, #tpu.memory_space<vmem>>, vector<16xi32>,
      %mul3A_228 = arith.constant 4 : i32
      %mul3A_229 = vector.broadcast %mul3A_228 : i32 to vector<16xi32>
      %mul3A_230 = arith.muli %max3A_215, %mul3A_229 : vector<16xi32>
      %add3A_231 = arith.constant 0 : i32
      %add3A_232 = vector.broadcast %add3A_231 : i32 to vector<16xi32>
      %add3A_233 = arith.addi %mul3A_230, %add3A_232 : vector<16xi32>
      %swap3A_234 = arith.constant 10400 : index
      %swap3A_235 = tpu.vector_load %arg9[%swap3A_234] {strides = array<i32>} : memref<10640xi32, #tpu.memory_space<vmem>>, vector<16xi32>,
      tpu.vector_store %arg9[%swap3A_234], %add3A_233 {strides = array<i32>} : memref<10640xi32, #tpu.memory_space<vmem>>, vector<16xi32>,
      %mul3A_236 = arith.constant 4 : i32
      %mul3A_237 = vector.broadcast %mul3A_236 : i32 to vector<16xi32>
      %mul3A_238 = arith.muli %max3A_209, %mul3A_237 : vector<16xi32>
      %add3A_239 = arith.constant 1 : i32
      %add3A_240 = vector.broadcast %add3A_239 : i32 to vector<16xi32>
      %add3A_241 = arith.addi %mul3A_238, %add3A_240 : vector<16xi32>
      %swap3A_242 = arith.constant 10416 : index
      %swap3A_243 = tpu.vector_load %arg9[%swap3A_242] {strides = array<i32>} : memref<10640xi32, #tpu.memory_space<vmem>>, vector<16xi32>,
      tpu.vector_store %arg9[%swap3A_242], %add3A_241 {strides = array<i32>} : memref<10640xi32, #tpu.memory_space<vmem>>, vector<16xi32>,
      %mul3A_244 = arith.constant 4 : i32
      %mul3A_245 = vector.broadcast %mul3A_244 : i32 to vector<16xi32>
      %mul3A_246 = arith.muli %max3A_215, %mul3A_245 : vector<16xi32>
      %add3A_247 = arith.constant 1 : i32
      %add3A_248 = vector.broadcast %add3A_247 : i32 to vector<16xi32>
      %add3A_249 = arith.addi %mul3A_246, %add3A_248 : vector<16xi32>
      %swap3A_250 = arith.constant 10432 : index
      %swap3A_251 = tpu.vector_load %arg9[%swap3A_250] {strides = array<i32>} : memref<10640xi32, #tpu.memory_space<vmem>>, vector<16xi32>,
      tpu.vector_store %arg9[%swap3A_250], %add3A_249 {strides = array<i32>} : memref<10640xi32, #tpu.memory_space<vmem>>, vector<16xi32>,
      %mul3A_252 = arith.constant 4 : i32
      %mul3A_253 = vector.broadcast %mul3A_252 : i32 to vector<16xi32>
      %mul3A_254 = arith.muli %max3A_209, %mul3A_253 : vector<16xi32>
      %add3A_255 = arith.constant 2 : i32
      %add3A_256 = vector.broadcast %add3A_255 : i32 to vector<16xi32>
      %add3A_257 = arith.addi %mul3A_254, %add3A_256 : vector<16xi32>
      %swap3A_258 = arith.constant 10448 : index
      %swap3A_259 = tpu.vector_load %arg9[%swap3A_258] {strides = array<i32>} : memref<10640xi32, #tpu.memory_space<vmem>>, vector<16xi32>,
      tpu.vector_store %arg9[%swap3A_258], %add3A_257 {strides = array<i32>} : memref<10640xi32, #tpu.memory_space<vmem>>, vector<16xi32>,
      %mul3A_260 = arith.constant 4 : i32
      %mul3A_261 = vector.broadcast %mul3A_260 : i32 to vector<16xi32>
      %mul3A_262 = arith.muli %max3A_215, %mul3A_261 : vector<16xi32>
      %add3A_263 = arith.constant 2 : i32
      %add3A_264 = vector.broadcast %add3A_263 : i32 to vector<16xi32>
      %add3A_265 = arith.addi %mul3A_262, %add3A_264 : vector<16xi32>
      %swap3A_266 = arith.constant 10464 : index
      %swap3A_267 = tpu.vector_load %arg9[%swap3A_266] {strides = array<i32>} : memref<10640xi32, #tpu.memory_space<vmem>>, vector<16xi32>,
      tpu.vector_store %arg9[%swap3A_266], %add3A_265 {strides = array<i32>} : memref<10640xi32, #tpu.memory_space<vmem>>, vector<16xi32>,
      %mul3A_268 = arith.constant 4 : i32
      %mul3A_269 = vector.broadcast %mul3A_268 : i32 to vector<16xi32>
      %mul3A_270 = arith.muli %max3A_209, %mul3A_269 : vector<16xi32>
      %add3A_271 = arith.constant 3 : i32
      %add3A_272 = vector.broadcast %add3A_271 : i32 to vector<16xi32>
      %add3A_273 = arith.addi %mul3A_270, %add3A_272 : vector<16xi32>
      %swap3A_274 = arith.constant 10480 : index
      %swap3A_275 = tpu.vector_load %arg9[%swap3A_274] {strides = array<i32>} : memref<10640xi32, #tpu.memory_space<vmem>>, vector<16xi32>,
      tpu.vector_store %arg9[%swap3A_274], %add3A_273 {strides = array<i32>} : memref<10640xi32, #tpu.memory_space<vmem>>, vector<16xi32>,
      %mul3A_276 = arith.constant 4 : i32
      %mul3A_277 = vector.broadcast %mul3A_276 : i32 to vector<16xi32>
      %mul3A_278 = arith.muli %max3A_215, %mul3A_277 : vector<16xi32>
      %add3A_279 = arith.constant 3 : i32
      %add3A_280 = vector.broadcast %add3A_279 : i32 to vector<16xi32>
      %add3A_281 = arith.addi %mul3A_278, %add3A_280 : vector<16xi32>
      %swap3A_282 = arith.constant 10496 : index
      %swap3A_283 = tpu.vector_load %arg9[%swap3A_282] {strides = array<i32>} : memref<10640xi32, #tpu.memory_space<vmem>>, vector<16xi32>,
      tpu.vector_store %arg9[%swap3A_282], %add3A_281 {strides = array<i32>} : memref<10640xi32, #tpu.memory_space<vmem>>, vector<16xi32>,
      %dma_start3A = arith.constant 10288 : i32
      %dma_start3A_284 = tpu.memref_slice %arg9[%dma_start3A] : memref<10640xi32, #tpu.memory_space<vmem>> -> memref<32xi32, #tpu.memory_space<vmem>>
      %dma_start3A_285 = arith.constant 10320 : i32
      %dma_start3A_286 = tpu.memref_slice %arg9[%dma_start3A_285] : memref<10640xi32, #tpu.memory_space<vmem>> -> memref<32xi32, #tpu.memory_space<vmem>>
      %dma_start3A_287 = arith.constant 0 : i32
      %dma_start3A_288 = tpu.memref_slice %arg2[%dma_start3A_287] : memref<20480xi32, #tpu.memory_space<hbm>> -> memref<20480xi32, #tpu.memory_space<hbm>>
      tpu.enqueue_indirect_dma source(%dma_start3A_288 : memref<20480xi32, #tpu.memory_space<hbm>>) target(%dma_start3A_284 : memref<32xi32, #tpu.memory_space<vmem>>) offsets(%dma_start3A_286 : memref<32xi32, #tpu.memory_space<vmem>>) semaphore(%arg11 : memref<!tpu.dma_semaphore, #tpu.memory_space<semaphore_mem>>)
      %dma_start3A_289 = arith.constant 10352 : i32
      %dma_start3A_290 = tpu.memref_slice %arg9[%dma_start3A_289] : memref<10640xi32, #tpu.memory_space<vmem>> -> memref<32xi32, #tpu.memory_space<vmem>>
      %dma_start3A_291 = arith.constant 10320 : i32
      %dma_start3A_292 = tpu.memref_slice %arg9[%dma_start3A_291] : memref<10640xi32, #tpu.memory_space<vmem>> -> memref<32xi32, #tpu.memory_space<vmem>>
      %dma_start3A_293 = arith.constant 0 : i32
      %dma_start3A_294 = tpu.memref_slice %arg3[%dma_start3A_293] : memref<20480xi32, #tpu.memory_space<hbm>> -> memref<20480xi32, #tpu.memory_space<hbm>>
      tpu.enqueue_indirect_dma source(%dma_start3A_294 : memref<20480xi32, #tpu.memory_space<hbm>>) target(%dma_start3A_290 : memref<32xi32, #tpu.memory_space<vmem>>) offsets(%dma_start3A_292 : memref<32xi32, #tpu.memory_space<vmem>>) semaphore(%arg11 : memref<!tpu.dma_semaphore, #tpu.memory_space<semaphore_mem>>)
      %dma_start3A_295 = arith.constant 0 : i32
      %dma_start3A_296 = tpu.memref_slice %arg10[%dma_start3A_295] : memref<256xf32, #tpu.memory_space<vmem>> -> memref<128xf32, #tpu.memory_space<vmem>>
      %dma_start3A_297 = arith.constant 10384 : i32
      %dma_start3A_298 = tpu.memref_slice %arg9[%dma_start3A_297] : memref<10640xi32, #tpu.memory_space<vmem>> -> memref<128xi32, #tpu.memory_space<vmem>>
      %dma_start3A_299 = arith.constant 0 : i32
      %dma_start3A_300 = tpu.memref_slice %arg4[%dma_start3A_299] : memref<81920xf32, #tpu.memory_space<hbm>> -> memref<81920xf32, #tpu.memory_space<hbm>>
      tpu.enqueue_indirect_dma source(%dma_start3A_300 : memref<81920xf32, #tpu.memory_space<hbm>>) target(%dma_start3A_296 : memref<128xf32, #tpu.memory_space<vmem>>) offsets(%dma_start3A_298 : memref<128xi32, #tpu.memory_space<vmem>>) semaphore(%arg11 : memref<!tpu.dma_semaphore, #tpu.memory_space<semaphore_mem>>)
      %dma_wait3A = arith.constant 10288 : i32
      %dma_wait3A_301 = tpu.memref_slice %arg9[%dma_wait3A] : memref<10640xi32, #tpu.memory_space<vmem>> -> memref<32xi32, #tpu.memory_space<vmem>>
      %dma_wait3A_302 = arith.constant 10320 : i32
      %dma_wait3A_303 = tpu.memref_slice %arg9[%dma_wait3A_302] : memref<10640xi32, #tpu.memory_space<vmem>> -> memref<32xi32, #tpu.memory_space<vmem>>
      %dma_wait3A_304 = arith.constant 0 : i32
      %dma_wait3A_305 = tpu.memref_slice %arg2[%dma_wait3A_304] : memref<20480xi32, #tpu.memory_space<hbm>> -> memref<20480xi32, #tpu.memory_space<hbm>>
      tpu.wait_indirect_dma semaphore(%arg11 : memref<!tpu.dma_semaphore, #tpu.memory_space<semaphore_mem>>) src(%dma_wait3A_305 : memref<20480xi32, #tpu.memory_space<hbm>>) dst(%dma_wait3A_301 : memref<32xi32, #tpu.memory_space<vmem>>)
      %dma_wait3A_306 = arith.constant 10352 : i32
      %dma_wait3A_307 = tpu.memref_slice %arg9[%dma_wait3A_306] : memref<10640xi32, #tpu.memory_space<vmem>> -> memref<32xi32, #tpu.memory_space<vmem>>
      %dma_wait3A_308 = arith.constant 10320 : i32
      %dma_wait3A_309 = tpu.memref_slice %arg9[%dma_wait3A_308] : memref<10640xi32, #tpu.memory_space<vmem>> -> memref<32xi32, #tpu.memory_space<vmem>>
      %dma_wait3A_310 = arith.constant 0 : i32
      %dma_wait3A_311 = tpu.memref_slice %arg3[%dma_wait3A_310] : memref<20480xi32, #tpu.memory_space<hbm>> -> memref<20480xi32, #tpu.memory_space<hbm>>
      tpu.wait_indirect_dma semaphore(%arg11 : memref<!tpu.dma_semaphore, #tpu.memory_space<semaphore_mem>>) src(%dma_wait3A_311 : memref<20480xi32, #tpu.memory_space<hbm>>) dst(%dma_wait3A_307 : memref<32xi32, #tpu.memory_space<vmem>>)
      %dma_wait3A_312 = arith.constant 0 : i32
      %dma_wait3A_313 = tpu.memref_slice %arg10[%dma_wait3A_312] : memref<256xf32, #tpu.memory_space<vmem>> -> memref<128xf32, #tpu.memory_space<vmem>>
      %dma_wait3A_314 = arith.constant 10384 : i32
      %dma_wait3A_315 = tpu.memref_slice %arg9[%dma_wait3A_314] : memref<10640xi32, #tpu.memory_space<vmem>> -> memref<128xi32, #tpu.memory_space<vmem>>
      %dma_wait3A_316 = arith.constant 0 : i32
      %dma_wait3A_317 = tpu.memref_slice %arg4[%dma_wait3A_316] : memref<81920xf32, #tpu.memory_space<hbm>> -> memref<81920xf32, #tpu.memory_space<hbm>>
      tpu.wait_indirect_dma semaphore(%arg11 : memref<!tpu.dma_semaphore, #tpu.memory_space<semaphore_mem>>) src(%dma_wait3A_317 : memref<81920xf32, #tpu.memory_space<hbm>>) dst(%dma_wait3A_313 : memref<128xf32, #tpu.memory_space<vmem>>)
      %get3A_318 = arith.constant 10352 : index
      %get3A_319 = tpu.vector_load %arg9[%get3A_318] {strides = array<i32>} : memref<10640xi32, #tpu.memory_space<vmem>>, vector<16xi32>,
      %min3A_320 = arith.constant 127 : i32
      %min3A_321 = vector.broadcast %min3A_320 : i32 to vector<16xi32>
      %min3A_322 = arith.minsi %get3A_319, %min3A_321 : vector<16xi32>
      %max3A_323 = arith.constant 0 : i32
      %max3A_324 = vector.broadcast %max3A_323 : i32 to vector<16xi32>
      %max3A_325 = arith.maxsi %min3A_322, %max3A_324 : vector<16xi32>
      %get3A_326 = arith.constant 10368 : index
      %get3A_327 = tpu.vector_load %arg9[%get3A_326] {strides = array<i32>} : memref<10640xi32, #tpu.memory_space<vmem>>, vector<16xi32>,
      %min3A_328 = arith.constant 127 : i32
      %min3A_329 = vector.broadcast %min3A_328 : i32 to vector<16xi32>
      %min3A_330 = arith.minsi %get3A_327, %min3A_329 : vector<16xi32>
      %max3A_331 = arith.constant 0 : i32
      %max3A_332 = vector.broadcast %max3A_331 : i32 to vector<16xi32>
      %max3A_333 = arith.maxsi %min3A_330, %max3A_332 : vector<16xi32>
      %mul3A_334 = arith.constant 4 : i32
      %mul3A_335 = vector.broadcast %mul3A_334 : i32 to vector<16xi32>
      %mul3A_336 = arith.muli %max3A_325, %mul3A_335 : vector<16xi32>
      %add3A_337 = arith.constant 0 : i32
      %add3A_338 = vector.broadcast %add3A_337 : i32 to vector<16xi32>
      %add3A_339 = arith.addi %mul3A_336, %add3A_338 : vector<16xi32>
      %swap3A_340 = arith.constant 10512 : index
      %swap3A_341 = tpu.vector_load %arg9[%swap3A_340] {strides = array<i32>} : memref<10640xi32, #tpu.memory_space<vmem>>, vector<16xi32>,
      tpu.vector_store %arg9[%swap3A_340], %add3A_339 {strides = array<i32>} : memref<10640xi32, #tpu.memory_space<vmem>>, vector<16xi32>,
      %mul3A_342 = arith.constant 4 : i32
      %mul3A_343 = vector.broadcast %mul3A_342 : i32 to vector<16xi32>
      %mul3A_344 = arith.muli %max3A_333, %mul3A_343 : vector<16xi32>
      %add3A_345 = arith.constant 0 : i32
      %add3A_346 = vector.broadcast %add3A_345 : i32 to vector<16xi32>
      %add3A_347 = arith.addi %mul3A_344, %add3A_346 : vector<16xi32>
      %swap3A_348 = arith.constant 10528 : index
      %swap3A_349 = tpu.vector_load %arg9[%swap3A_348] {strides = array<i32>} : memref<10640xi32, #tpu.memory_space<vmem>>, vector<16xi32>,
      tpu.vector_store %arg9[%swap3A_348], %add3A_347 {strides = array<i32>} : memref<10640xi32, #tpu.memory_space<vmem>>, vector<16xi32>,
      %mul3A_350 = arith.constant 4 : i32
      %mul3A_351 = vector.broadcast %mul3A_350 : i32 to vector<16xi32>
      %mul3A_352 = arith.muli %max3A_325, %mul3A_351 : vector<16xi32>
      %add3A_353 = arith.constant 1 : i32
      %add3A_354 = vector.broadcast %add3A_353 : i32 to vector<16xi32>
      %add3A_355 = arith.addi %mul3A_352, %add3A_354 : vector<16xi32>
      %swap3A_356 = arith.constant 10544 : index
      %swap3A_357 = tpu.vector_load %arg9[%swap3A_356] {strides = array<i32>} : memref<10640xi32, #tpu.memory_space<vmem>>, vector<16xi32>,
      tpu.vector_store %arg9[%swap3A_356], %add3A_355 {strides = array<i32>} : memref<10640xi32, #tpu.memory_space<vmem>>, vector<16xi32>,
      %mul3A_358 = arith.constant 4 : i32
      %mul3A_359 = vector.broadcast %mul3A_358 : i32 to vector<16xi32>
      %mul3A_360 = arith.muli %max3A_333, %mul3A_359 : vector<16xi32>
      %add3A_361 = arith.constant 1 : i32
      %add3A_362 = vector.broadcast %add3A_361 : i32 to vector<16xi32>
      %add3A_363 = arith.addi %mul3A_360, %add3A_362 : vector<16xi32>
      %swap3A_364 = arith.constant 10560 : index
      %swap3A_365 = tpu.vector_load %arg9[%swap3A_364] {strides = array<i32>} : memref<10640xi32, #tpu.memory_space<vmem>>, vector<16xi32>,
      tpu.vector_store %arg9[%swap3A_364], %add3A_363 {strides = array<i32>} : memref<10640xi32, #tpu.memory_space<vmem>>, vector<16xi32>,
      %mul3A_366 = arith.constant 4 : i32
      %mul3A_367 = vector.broadcast %mul3A_366 : i32 to vector<16xi32>
      %mul3A_368 = arith.muli %max3A_325, %mul3A_367 : vector<16xi32>
      %add3A_369 = arith.constant 2 : i32
      %add3A_370 = vector.broadcast %add3A_369 : i32 to vector<16xi32>
      %add3A_371 = arith.addi %mul3A_368, %add3A_370 : vector<16xi32>
      %swap3A_372 = arith.constant 10576 : index
      %swap3A_373 = tpu.vector_load %arg9[%swap3A_372] {strides = array<i32>} : memref<10640xi32, #tpu.memory_space<vmem>>, vector<16xi32>,
      tpu.vector_store %arg9[%swap3A_372], %add3A_371 {strides = array<i32>} : memref<10640xi32, #tpu.memory_space<vmem>>, vector<16xi32>,
      %mul3A_374 = arith.constant 4 : i32
      %mul3A_375 = vector.broadcast %mul3A_374 : i32 to vector<16xi32>
      %mul3A_376 = arith.muli %max3A_333, %mul3A_375 : vector<16xi32>
      %add3A_377 = arith.constant 2 : i32
      %add3A_378 = vector.broadcast %add3A_377 : i32 to vector<16xi32>
      %add3A_379 = arith.addi %mul3A_376, %add3A_378 : vector<16xi32>
      %swap3A_380 = arith.constant 10592 : index
      %swap3A_381 = tpu.vector_load %arg9[%swap3A_380] {strides = array<i32>} : memref<10640xi32, #tpu.memory_space<vmem>>, vector<16xi32>,
      tpu.vector_store %arg9[%swap3A_380], %add3A_379 {strides = array<i32>} : memref<10640xi32, #tpu.memory_space<vmem>>, vector<16xi32>,
      %mul3A_382 = arith.constant 4 : i32
      %mul3A_383 = vector.broadcast %mul3A_382 : i32 to vector<16xi32>
      %mul3A_384 = arith.muli %max3A_325, %mul3A_383 : vector<16xi32>
      %add3A_385 = arith.constant 3 : i32
      %add3A_386 = vector.broadcast %add3A_385 : i32 to vector<16xi32>
      %add3A_387 = arith.addi %mul3A_384, %add3A_386 : vector<16xi32>
      %swap3A_388 = arith.constant 10608 : index
      %swap3A_389 = tpu.vector_load %arg9[%swap3A_388] {strides = array<i32>} : memref<10640xi32, #tpu.memory_space<vmem>>, vector<16xi32>,
      tpu.vector_store %arg9[%swap3A_388], %add3A_387 {strides = array<i32>} : memref<10640xi32, #tpu.memory_space<vmem>>, vector<16xi32>,
      %mul3A_390 = arith.constant 4 : i32
      %mul3A_391 = vector.broadcast %mul3A_390 : i32 to vector<16xi32>
      %mul3A_392 = arith.muli %max3A_333, %mul3A_391 : vector<16xi32>
      %add3A_393 = arith.constant 3 : i32
      %add3A_394 = vector.broadcast %add3A_393 : i32 to vector<16xi32>
      %add3A_395 = arith.addi %mul3A_392, %add3A_394 : vector<16xi32>
      %swap3A_396 = arith.constant 10624 : index
      %swap3A_397 = tpu.vector_load %arg9[%swap3A_396] {strides = array<i32>} : memref<10640xi32, #tpu.memory_space<vmem>>, vector<16xi32>,
      tpu.vector_store %arg9[%swap3A_396], %add3A_395 {strides = array<i32>} : memref<10640xi32, #tpu.memory_space<vmem>>, vector<16xi32>,
      %dma_start3A_398 = arith.constant 128 : i32
      %dma_start3A_399 = tpu.memref_slice %arg10[%dma_start3A_398] : memref<256xf32, #tpu.memory_space<vmem>> -> memref<128xf32, #tpu.memory_space<vmem>>
      %dma_start3A_400 = arith.constant 10512 : i32
      %dma_start3A_401 = tpu.memref_slice %arg9[%dma_start3A_400] : memref<10640xi32, #tpu.memory_space<vmem>> -> memref<128xi32, #tpu.memory_space<vmem>>
      %dma_start3A_402 = arith.constant 0 : i32
      %dma_start3A_403 = tpu.memref_slice %arg5[%dma_start3A_402] : memref<512xf32, #tpu.memory_space<hbm>> -> memref<512xf32, #tpu.memory_space<hbm>>
      tpu.enqueue_indirect_dma source(%dma_start3A_403 : memref<512xf32, #tpu.memory_space<hbm>>) target(%dma_start3A_399 : memref<128xf32, #tpu.memory_space<vmem>>) offsets(%dma_start3A_401 : memref<128xi32, #tpu.memory_space<vmem>>) semaphore(%arg11 : memref<!tpu.dma_semaphore, #tpu.memory_space<semaphore_mem>>)
      %dma_wait3A_404 = arith.constant 128 : i32
      %dma_wait3A_405 = tpu.memref_slice %arg10[%dma_wait3A_404] : memref<256xf32, #tpu.memory_space<vmem>> -> memref<128xf32, #tpu.memory_space<vmem>>
      %dma_wait3A_406 = arith.constant 10512 : i32
      %dma_wait3A_407 = tpu.memref_slice %arg9[%dma_wait3A_406] : memref<10640xi32, #tpu.memory_space<vmem>> -> memref<128xi32, #tpu.memory_space<vmem>>
      %dma_wait3A_408 = arith.constant 0 : i32
      %dma_wait3A_409 = tpu.memref_slice %arg5[%dma_wait3A_408] : memref<512xf32, #tpu.memory_space<hbm>> -> memref<512xf32, #tpu.memory_space<hbm>>
      tpu.wait_indirect_dma semaphore(%arg11 : memref<!tpu.dma_semaphore, #tpu.memory_space<semaphore_mem>>) src(%dma_wait3A_409 : memref<512xf32, #tpu.memory_space<hbm>>) dst(%dma_wait3A_405 : memref<128xf32, #tpu.memory_space<vmem>>)
      %mul3A_410 = arith.constant 64 : i32
      %mul3A_411 = arith.muli %arg1, %mul3A_410 : i32
      "tpu.region"() ({
        %run_scoped3A = tpu.sem_alloc : memref<!tpu.dma_semaphore, #tpu.memory_space<semaphore_mem>>
        %dma_start3A_414 = arith.constant 10256 : i32
        %dma_start3A_415 = tpu.memref_slice %arg9[%dma_start3A_414] : memref<10640xi32, #tpu.memory_space<vmem>> -> memref<64xi32, #tpu.memory_space<vmem>>
        %dma_start3A_416 = tpu.memref_slice %arg6[%mul3A_411] : memref<1024xi32, #tpu.memory_space<hbm>> -> memref<64xi32, #tpu.memory_space<hbm>>
        %dma_start3A_417 = tpu.memref_slice %arg6[%mul3A_411] : memref<1024xi32, #tpu.memory_space<hbm>> -> memref<64xi32, #tpu.memory_space<hbm>>
        %dma_start3A_418 = arith.constant 10256 : i32
        %dma_start3A_419 = tpu.memref_slice %arg9[%dma_start3A_418] : memref<10640xi32, #tpu.memory_space<vmem>> -> memref<64xi32, #tpu.memory_space<vmem>>
        tpu.enqueue_dma source(%dma_start3A_419 : memref<64xi32, #tpu.memory_space<vmem>>) target(%dma_start3A_417 : memref<64xi32, #tpu.memory_space<hbm>>) target_semaphore(%run_scoped3A : memref<!tpu.dma_semaphore, #tpu.memory_space<semaphore_mem>>)
        %dma_wait3A_420 = arith.constant 10256 : i32
        %dma_wait3A_421 = tpu.memref_slice %arg9[%dma_wait3A_420] : memref<10640xi32, #tpu.memory_space<vmem>> -> memref<64xi32, #tpu.memory_space<vmem>>
        %dma_wait3A_422 = tpu.memref_slice %arg6[%mul3A_411] : memref<1024xi32, #tpu.memory_space<hbm>> -> memref<64xi32, #tpu.memory_space<hbm>>
        %dma_wait3A_423 = tpu.memref_slice %arg6[%mul3A_411] : memref<1024xi32, #tpu.memory_space<hbm>> -> memref<64xi32, #tpu.memory_space<hbm>>
        %dma_wait3A_424 = arith.constant 10256 : i32
        %dma_wait3A_425 = tpu.memref_slice %arg9[%dma_wait3A_424] : memref<10640xi32, #tpu.memory_space<vmem>> -> memref<64xi32, #tpu.memory_space<vmem>>
        tpu.wait_dma2 semaphore(%run_scoped3A : memref<!tpu.dma_semaphore, #tpu.memory_space<semaphore_mem>>) src(%dma_wait3A_425 : memref<64xi32, #tpu.memory_space<vmem>>) dst(%dma_wait3A_423 : memref<64xi32, #tpu.memory_space<hbm>>)
        tpu.yield
      }) : () -> ()
      %mul3A_412 = arith.constant 256 : i32
      %mul3A_413 = arith.muli %arg1, %mul3A_412 : i32
      "tpu.region"() ({
        %run_scoped3A = tpu.sem_alloc : memref<!tpu.dma_semaphore, #tpu.memory_space<semaphore_mem>>
        %dma_start3A_414 = arith.constant 0 : i32
        %dma_start3A_415 = tpu.memref_slice %arg10[%dma_start3A_414] : memref<256xf32, #tpu.memory_space<vmem>> -> memref<256xf32, #tpu.memory_space<vmem>>
        %dma_start3A_416 = tpu.memref_slice %arg7[%mul3A_413] : memref<4096xf32, #tpu.memory_space<hbm>> -> memref<256xf32, #tpu.memory_space<hbm>>
        %dma_start3A_417 = tpu.memref_slice %arg7[%mul3A_413] : memref<4096xf32, #tpu.memory_space<hbm>> -> memref<256xf32, #tpu.memory_space<hbm>>
        %dma_start3A_418 = arith.constant 0 : i32
        %dma_start3A_419 = tpu.memref_slice %arg10[%dma_start3A_418] : memref<256xf32, #tpu.memory_space<vmem>> -> memref<256xf32, #tpu.memory_space<vmem>>
        tpu.enqueue_dma source(%dma_start3A_419 : memref<256xf32, #tpu.memory_space<vmem>>) target(%dma_start3A_417 : memref<256xf32, #tpu.memory_space<hbm>>) target_semaphore(%run_scoped3A : memref<!tpu.dma_semaphore, #tpu.memory_space<semaphore_mem>>)
        %dma_wait3A_420 = arith.constant 0 : i32
        %dma_wait3A_421 = tpu.memref_slice %arg10[%dma_wait3A_420] : memref<256xf32, #tpu.memory_space<vmem>> -> memref<256xf32, #tpu.memory_space<vmem>>
        %dma_wait3A_422 = tpu.memref_slice %arg7[%mul3A_413] : memref<4096xf32, #tpu.memory_space<hbm>> -> memref<256xf32, #tpu.memory_space<hbm>>
        %dma_wait3A_423 = tpu.memref_slice %arg7[%mul3A_413] : memref<4096xf32, #tpu.memory_space<hbm>> -> memref<256xf32, #tpu.memory_space<hbm>>
        %dma_wait3A_424 = arith.constant 0 : i32
        %dma_wait3A_425 = tpu.memref_slice %arg10[%dma_wait3A_424] : memref<256xf32, #tpu.memory_space<vmem>> -> memref<256xf32, #tpu.memory_space<vmem>>
        tpu.wait_dma2 semaphore(%run_scoped3A : memref<!tpu.dma_semaphore, #tpu.memory_space<semaphore_mem>>) src(%dma_wait3A_425 : memref<256xf32, #tpu.memory_space<vmem>>) dst(%dma_wait3A_423 : memref<256xf32, #tpu.memory_space<hbm>>)
        tpu.yield
      }) : () -> ()
    } else {
    }
    return
  }
}

module attributes {stable_mosaic.version = 14 : i64} {
  func.func @_tc_body(%arg0: i32, %arg1: memref<4x32x128xf32, #tpu.memory_space<vmem>>, %arg2: memref<128x4xf32, #tpu.memory_space<smem>>, %arg3: memref<128xi32, #tpu.memory_space<smem>>, %arg4: memref<32x128xf32, #tpu.memory_space<vmem>>, %arg5: memref<32x128xi32, #tpu.memory_space<vmem>>, %arg6: memref<32x128xi32, #tpu.memory_space<vmem>>) attributes {dimension_semantics = [#tpu.dimension_semantics<arbitrary>], iteration_bounds = array<i64: 5>, scalar_prefetch = 0 : i64, scratch_operands = 0 : i64, tpu.core_type = #tpu.core_type<tc>, window_params = [{transform_indices = @transform_0, window_bounds = array<i64: 4, 32, 128>}, {transform_indices = @transform_1, window_bounds = array<i64: 128, 4>}, {transform_indices = @transform_2, window_bounds = array<i64: 128>}, {transform_indices = @transform_3, window_bounds = array<i64: 32, 128>}, {transform_indices = @transform_4, window_bounds = array<i64: 32, 128>}, {transform_indices = @transform_5, window_bounds = array<i64: 32, 128>}]} {
    %get3A = arith.constant 0 : index
    %get3A_0 = arith.constant 0 : index
    %get3A_1 = arith.constant 0 : index
    %get3A_2 = vector.load %arg1[%get3A, %get3A_0, %get3A_1] : memref<4x32x128xf32, #tpu.memory_space<vmem>>, vector<1x32x128xf32>
    %get3A_3 = vector.shape_cast %get3A_2 : vector<1x32x128xf32> to vector<32x128xf32>
    %get3A_4 = arith.constant 1 : index
    %get3A_5 = arith.constant 0 : index
    %get3A_6 = arith.constant 0 : index
    %get3A_7 = vector.load %arg1[%get3A_4, %get3A_5, %get3A_6] : memref<4x32x128xf32, #tpu.memory_space<vmem>>, vector<1x32x128xf32>
    %get3A_8 = vector.shape_cast %get3A_7 : vector<1x32x128xf32> to vector<32x128xf32>
    %get3A_9 = arith.constant 2 : index
    %get3A_10 = arith.constant 0 : index
    %get3A_11 = arith.constant 0 : index
    %get3A_12 = vector.load %arg1[%get3A_9, %get3A_10, %get3A_11] : memref<4x32x128xf32, #tpu.memory_space<vmem>>, vector<1x32x128xf32>
    %get3A_13 = vector.shape_cast %get3A_12 : vector<1x32x128xf32> to vector<32x128xf32>
    %get3A_14 = arith.constant 3 : index
    %get3A_15 = arith.constant 0 : index
    %get3A_16 = arith.constant 0 : index
    %get3A_17 = vector.load %arg1[%get3A_14, %get3A_15, %get3A_16] : memref<4x32x128xf32, #tpu.memory_space<vmem>>, vector<1x32x128xf32>
    %get3A_18 = vector.shape_cast %get3A_17 : vector<1x32x128xf32> to vector<32x128xf32>
    %sub3A = arith.subf %get3A_13, %get3A_3 : vector<32x128xf32>
    %sub3A_19 = arith.subf %get3A_18, %get3A_8 : vector<32x128xf32>
    %mul3A = arith.mulf %sub3A, %sub3A_19 : vector<32x128xf32>
    %broadcast_in_dim3A = arith.constant -1.000000e+00 : f32
    %broadcast_in_dim3A_20 = vector.broadcast %broadcast_in_dim3A : f32 to vector<32x128xf32>
    %broadcast_in_dim3A_21 = arith.constant 0 : i32
    %broadcast_in_dim3A_22 = vector.broadcast %broadcast_in_dim3A_21 : i32 to vector<32x128xi32>
    %broadcast_in_dim3A_23 = arith.constant 0 : i32
    %broadcast_in_dim3A_24 = vector.broadcast %broadcast_in_dim3A_23 : i32 to vector<32x128xi32>
    %scan3A = arith.constant 0 : i32
    %scan3A_25 = arith.constant 128 : i32
    %scan3A_26 = arith.addi %scan3A, %scan3A_25 : i32
    %scan3A_27 = arith.constant 1 : i32
    %scan3A_28:3 = scf.for %scan3A_41 = %scan3A to %scan3A_26 step %scan3A_27 iter_args(%scan3A_42 = %broadcast_in_dim3A_20, %scan3A_43 = %broadcast_in_dim3A_22, %scan3A_44 = %broadcast_in_dim3A_24) -> (vector<32x128xf32>, vector<32x128xi32>, vector<32x128xi32>)  : i32 {
      %get3A_45 = arith.index_cast %scan3A_41 : i32 to index
      %get3A_46 = arith.constant 0 : index
      %get3A_47 = memref.load %arg2[%get3A_45, %get3A_46] : memref<128x4xf32, #tpu.memory_space<smem>>
      %get3A_48 = arith.index_cast %scan3A_41 : i32 to index
      %get3A_49 = arith.constant 1 : index
      %get3A_50 = memref.load %arg2[%get3A_48, %get3A_49] : memref<128x4xf32, #tpu.memory_space<smem>>
      %get3A_51 = arith.index_cast %scan3A_41 : i32 to index
      %get3A_52 = arith.constant 2 : index
      %get3A_53 = memref.load %arg2[%get3A_51, %get3A_52] : memref<128x4xf32, #tpu.memory_space<smem>>
      %get3A_54 = arith.index_cast %scan3A_41 : i32 to index
      %get3A_55 = arith.constant 3 : index
      %get3A_56 = memref.load %arg2[%get3A_54, %get3A_55] : memref<128x4xf32, #tpu.memory_space<smem>>
      %sub3A_57 = arith.subf %get3A_53, %get3A_47 : f32
      %sub3A_58 = arith.subf %get3A_56, %get3A_50 : f32
      %mul3A_59 = arith.mulf %sub3A_57, %sub3A_58 : f32
      %min3A = vector.broadcast %get3A_53 : f32 to vector<32x128xf32>
      %min3A_60 = arith.minimumf %min3A, %get3A_13 : vector<32x128xf32>
      %max3A = vector.broadcast %get3A_47 : f32 to vector<32x128xf32>
      %max3A_61 = arith.maximumf %max3A, %get3A_3 : vector<32x128xf32>
      %sub3A_62 = arith.subf %min3A_60, %max3A_61 : vector<32x128xf32>
      %max3A_63 = arith.constant 0.000000e+00 : f32
      %max3A_64 = vector.broadcast %max3A_63 : f32 to vector<32x128xf32>
      %max3A_65 = arith.maximumf %sub3A_62, %max3A_64 : vector<32x128xf32>
      %min3A_66 = vector.broadcast %get3A_56 : f32 to vector<32x128xf32>
      %min3A_67 = arith.minimumf %min3A_66, %get3A_18 : vector<32x128xf32>
      %max3A_68 = vector.broadcast %get3A_50 : f32 to vector<32x128xf32>
      %max3A_69 = arith.maximumf %max3A_68, %get3A_8 : vector<32x128xf32>
      %sub3A_70 = arith.subf %min3A_67, %max3A_69 : vector<32x128xf32>
      %max3A_71 = arith.constant 0.000000e+00 : f32
      %max3A_72 = vector.broadcast %max3A_71 : f32 to vector<32x128xf32>
      %max3A_73 = arith.maximumf %sub3A_70, %max3A_72 : vector<32x128xf32>
      %mul3A_74 = arith.mulf %max3A_65, %max3A_73 : vector<32x128xf32>
      %add3A = vector.broadcast %mul3A_59 : f32 to vector<32x128xf32>
      %add3A_75 = arith.addf %add3A, %mul3A : vector<32x128xf32>
      %sub3A_76 = arith.subf %add3A_75, %mul3A_74 : vector<32x128xf32>
      %gt3A = arith.constant 0.000000e+00 : f32
      %gt3A_77 = vector.broadcast %gt3A : f32 to vector<32x128xf32>
      %gt3A_78 = arith.cmpf ogt, %sub3A_76, %gt3A_77 : vector<32x128xf32>
      %div3A = arith.divf %mul3A_74, %sub3A_76 : vector<32x128xf32>
      %jit3A_79 = arith.constant 0.000000e+00 : f32
      %broadcast_in_dim3A_80 = vector.broadcast %jit3A_79 : f32 to vector<32x128xf32>
      %select_n3A_81 = arith.select %gt3A_78, %div3A, %broadcast_in_dim3A_80 : vector<32x128xi1>, vector<32x128xf32>
      %gt3A_82 = arith.cmpf ogt, %select_n3A_81, %scan3A_42 : vector<32x128xf32>
      %select_n3A_83 = arith.select %gt3A_82, %select_n3A_81, %scan3A_42 : vector<32x128xi1>, vector<32x128xf32>
      %broadcast_in_dim3A_84 = vector.broadcast %scan3A_41 : i32 to vector<32x128xi32>
      %select_n3A_85 = arith.select %gt3A_82, %broadcast_in_dim3A_84, %scan3A_43 : vector<32x128xi1>, vector<32x128xi32>
      %get3A_86 = arith.index_cast %scan3A_41 : i32 to index
      %get3A_87 = memref.load %arg3[%get3A_86] : memref<128xi32, #tpu.memory_space<smem>>
      %broadcast_in_dim3A_88 = vector.broadcast %get3A_87 : i32 to vector<32x128xi32>
      %select_n3A_89 = arith.select %gt3A_82, %broadcast_in_dim3A_88, %scan3A_44 : vector<32x128xi1>, vector<32x128xi32>
      scf.yield %select_n3A_83, %select_n3A_85, %select_n3A_89 : vector<32x128xf32>, vector<32x128xi32>, vector<32x128xi32>
    }
    %scan3A_29 = arith.constant 128 : i32
    %swap3A = arith.constant 0 : index
    %swap3A_30 = arith.constant 0 : index
    %swap3A_31 = vector.load %arg4[%swap3A, %swap3A_30] : memref<32x128xf32, #tpu.memory_space<vmem>>, vector<32x128xf32>
    tpu.vector_store %arg4[%swap3A, %swap3A_30], %scan3A_28#0 {strides = array<i32>} : memref<32x128xf32, #tpu.memory_space<vmem>>, vector<32x128xf32>,
    %swap3A_32 = arith.constant 0 : index
    %swap3A_33 = arith.constant 0 : index
    %swap3A_34 = vector.load %arg5[%swap3A_32, %swap3A_33] : memref<32x128xi32, #tpu.memory_space<vmem>>, vector<32x128xi32>
    tpu.vector_store %arg5[%swap3A_32, %swap3A_33], %scan3A_28#1 {strides = array<i32>} : memref<32x128xi32, #tpu.memory_space<vmem>>, vector<32x128xi32>,
    %ge3A = arith.constant 5.000000e-01 : f32
    %ge3A_35 = vector.broadcast %ge3A : f32 to vector<32x128xf32>
    %ge3A_36 = arith.cmpf oge, %scan3A_28#0, %ge3A_35 : vector<32x128xf32>
    %jit3A = arith.constant 80 : i32
    %broadcast_in_dim3A_37 = vector.broadcast %jit3A : i32 to vector<32x128xi32>
    %select_n3A = arith.select %ge3A_36, %scan3A_28#2, %broadcast_in_dim3A_37 : vector<32x128xi1>, vector<32x128xi32>
    %swap3A_38 = arith.constant 0 : index
    %swap3A_39 = arith.constant 0 : index
    %swap3A_40 = vector.load %arg6[%swap3A_38, %swap3A_39] : memref<32x128xi32, #tpu.memory_space<vmem>>, vector<32x128xi32>
    tpu.vector_store %arg6[%swap3A_38, %swap3A_39], %select_n3A {strides = array<i32>} : memref<32x128xi32, #tpu.memory_space<vmem>>, vector<32x128xi32>,
    return
  }
  func.func @transform_0(%arg0: i32) -> (i32, i32, i32) {
    %c0_i32 = arith.constant 0 : i32
    %c0_i32_0 = arith.constant 0 : i32
    %c0_i32_1 = arith.constant 0 : i32
    return %c0_i32, %arg0, %c0_i32_0 : i32, i32, i32
  }
  func.func @transform_1(%arg0: i32) -> (i32, i32) {
    %c0_i32 = arith.constant 0 : i32
    %c0_i32_0 = arith.constant 0 : i32
    %c0_i32_1 = arith.constant 0 : i32
    return %c0_i32, %c0_i32_0 : i32, i32
  }
  func.func @transform_2(%arg0: i32) -> i32 {
    %c0_i32 = arith.constant 0 : i32
    %c0_i32_0 = arith.constant 0 : i32
    return %c0_i32 : i32
  }
  func.func @transform_3(%arg0: i32) -> (i32, i32) {
    %c0_i32 = arith.constant 0 : i32
    %c0_i32_0 = arith.constant 0 : i32
    return %arg0, %c0_i32 : i32, i32
  }
  func.func @transform_4(%arg0: i32) -> (i32, i32) {
    %c0_i32 = arith.constant 0 : i32
    %c0_i32_0 = arith.constant 0 : i32
    return %arg0, %c0_i32 : i32, i32
  }
  func.func @transform_5(%arg0: i32) -> (i32, i32) {
    %c0_i32 = arith.constant 0 : i32
    %c0_i32_0 = arith.constant 0 : i32
    return %arg0, %c0_i32 : i32, i32
  }
}

</mosaic_0001>

<sc_bundles>
// kernel: kernel.4.cloned.1.call-start
scs
__scs_entry_jumppad:
0x0: {  	(pc) =	sbr.rel $0x88, $3  }
0x1: {  	(tag) =	ssettag $0x0;
	lr =	simm.s32 $0x1  }
0x2: {  	[smem:$0x3F9E] =	sst lr;
	_ =	strace $0xD0000000  }
0x3: {  	_ = 	snop  }
0x4: {  	_ = 	snop  }
0x5: {  	_ = 	snop  }
0x6: {  	_ = 	snop  }
0x7: {  	_ = 	snop  }
__scs_overlays_trampoline_lowered:
0x8: {  	[smem:$0x3FAD] =	sst s0  }
0x9: {  	[smem:$0x3FAE] =	sst s1  }
0xa: {  	[smem:$0x3FAF] =	sst s2  }
0xb: {  	[smem:$0x3FB0] =	sst s3  }
0xc: {  	[smem:$0x3FB1] =	sst s4  }
0xd: {  	[smem:$0x3FB2] =	sst s5  }
0xe: {  	[smem:$0x3FB3] =	sst s6  }
0xf: {  	[smem:$0x3FB4] =	sst s7  }
0x10: {  	[smem:$0x3FB5] =	sst s8  }
0x11: {  	[smem:$0x3FB6] =	sst s9;
	s0 =	simm.s32 @!p0 $0x0  }
0x12: {  	s1 =	sld [smem:$0x3F9C];
	s0 =	simm.s32 @p0 $0x1  }
0x13: {  	[smem:$0x3FB7] =	sst s0;
	s0 =	simm.s32 @!p1 $0x0  }
0x14: {  	s2 =	sld [smem:$0x3F9B];
	s0 =	simm.s32 @p1 $0x1  }
0x15: {  	[smem:$0x3FB8] =	sst s0;
	s0 =	simm.s32 @!p2 $0x0  }
0x16: {  	s3 =	sld [smem:$0x3FDB];
	s0 =	simm.s32 @p2 $0x1  }
0x17: {  	s4 =	simm.s32 $0x1BF5;
	[smem:$0x3FBA] =	sst s0  }
0x18: {  	s0 =	sld [smem:$0x3F9D];
	_ =	swait.ge [sflag:s4], $0x0  }
0x19: {  	s7 =	sld [smem:$0x3F9E]  }
0x1a: {  	s8 =	sadd.s32 $0xFFFFE003, lr  }
0x1b: {  	s9 =	sadd.s32 $0xFFFFFEF7, lr;
	s5 =	simm.s32 $0xFFFFFFFF;
	p2 =	slt.u32 s8, $0xFFFFF086  }
0x1c: {  	p1 =	slt.u32 s9, $0xF7A;
	s5 =	simm.s32 @!p2 $0x0  }
0x1d: {  	s5 =	simm.s32 @p1 $0x1;
	p0 =	seq.s32 s7, s2  }
0x1e: {  	s7 =	smul.u32 @!p0 $0xF7A, s2;
	p2 =	seq.s32 @!p0 s5, $0x0  }
0x1f: {  	s9 =	smul.u32 $0xF7A, s1;
	s8 =	simm.s32 @!p0 $0x1BF5;
	p2 =	por !p2, p0  }
0x20: {  	[sflag:s8] =	ssyncset.s32 @!p0 $0xFFFFF086;
	s6 =	sadd.s32 @!p0 s3, s7;
	s7 =	simm.s32 @!p0 $0x108  }
0x21: {  	s3 =	sadd.s32 s3, s9;
	s6 =	sadd.s32 @!p0 $0x88, s6;
	s7 =	simm.s32 @p2 $0x1082  }
0x22: {  	[simem:s7], [sflag:s8] =	dma.local @!p0 [hbm:s6], $0xF7A  }
0x23: {  	s9 =	sor.u32 $0xD0000000, s2;
	s6 =	simm.s32 $0x108;
	_ =	swait.ge @!p0 [sflag:s8], $0x0  }
0x24: {  	s3 =	sadd.s32 $0x88, s3;
	s6 =	simm.s32 @!p1 $0x1082;
	[sflag:s4] =	ssyncset.s32 $0xFFFFF086  }
0x25: {  	[simem:s6], [sflag:s4] =	dma.local [hbm:s3], $0xF7A  }
0x26: {  	[smem:$0x3F9E] =	sst s1;
	(tag) =	ssettag s2;
	_ =	strace s9  }
0x27: {  	s1 =	sld [smem:$0x3FAE]  }
0x28: {  	s2 =	sld [smem:$0x3FAF]  }
0x29: {  	s4 =	sld [smem:$0x3FB1]  }
0x2a: {  	p0 =	seq.s32 s5, $0x0;
	s5 =	sld [smem:$0x3FB2]  }
0x2b: {  	s6 =	sld [smem:$0x3FB3]  }
0x2c: {  	s7 =	sld [smem:$0x3FB4]  }
0x2d: {  	s3 =	simm.s32 $0x108;
	s8 =	sld [smem:$0x3FB5]  }
0x2e: {  	s3 =	simm.s32 @!p0 $0x1082;
	s9 =	sld [smem:$0x3FB6]  }
0x2f: {  	lr =	sadd.s32 s0, s3;
	s0 =	sld [smem:$0x3FAD]  }
0x30: {  	s3 =	sld [smem:$0x3FB0]  }
0x31: {  	[smem:$0x3FB9] =	sst s10  }
0x32: {  	s10 =	sld [smem:$0x3FB7];
	_ =	sdelay $0x3  }
0x33: {  	p0 =	seq.s32 s10, $0x1;
	s10 =	sld [smem:$0x3FB9];
	_ =	sdelay $0x3  }
0x34: {  	[smem:$0x3FB9] =	sst s10  }
0x35: {  	s10 =	sld [smem:$0x3FB8];
	_ =	sdelay $0x3  }
0x36: {  	p1 =	seq.s32 s10, $0x1;
	s10 =	sld [smem:$0x3FB9];
	_ =	sdelay $0x3  }
0x37: {  	[smem:$0x3FB9] =	sst s10  }
0x38: {  	s10 =	sld [smem:$0x3FBA]  }
0x39: {  	_ = 	snop;
	(pc) =	sbr.ind lr, $3  }
0x3a: {  	_ = 	snop  }
0x3b: {  	_ = 	snop  }
0x3c: {  	p2 =	seq.s32 s10, $0x1;
	s10 =	sld [smem:$0x3FB9]  }
0x3d: {  	_ =	shalt  }
0x3e: {  	_ =	shalt  }
0x3f: {  	_ =	shalt  }
0x40: {  	_ =	shalt  }
0x41: {  	_ =	shalt  }
0x42: {  	_ =	shalt  }
0x43: {  	_ =	shalt  }
0x44: {  	_ =	shalt  }
0x45: {  	_ =	shalt  }
0x46: {  	_ =	shalt  }
0x47: {  	_ =	shalt  }
0x48: {  	_ =	shalt  }
0x49: {  	_ =	shalt  }
0x4a: {  	_ =	shalt  }
0x4b: {  	_ =	shalt  }
0x4c: {  	_ =	shalt  }
0x4d: {  	_ =	shalt  }
0x4e: {  	_ =	shalt  }
0x4f: {  	_ =	shalt  }
0x50: {  	_ =	shalt  }
0x51: {  	_ =	shalt  }
0x52: {  	_ =	shalt  }
0x53: {  	_ =	shalt  }
0x54: {  	_ =	shalt  }
0x55: {  	_ =	shalt  }
0x56: {  	_ =	shalt  }
0x57: {  	_ =	shalt  }
0x58: {  	_ =	shalt  }
0x59: {  	_ =	shalt  }
0x5a: {  	_ =	shalt  }
0x5b: {  	_ =	shalt  }
0x5c: {  	_ =	shalt  }
0x5d: {  	_ =	shalt  }
0x5e: {  	_ =	shalt  }
0x5f: {  	_ =	shalt  }
0x60: {  	_ =	shalt  }
0x61: {  	_ =	shalt  }
0x62: {  	_ =	shalt  }
0x63: {  	_ =	shalt  }
0x64: {  	_ =	shalt  }
0x65: {  	_ =	shalt  }
0x66: {  	_ =	shalt  }
0x67: {  	_ =	shalt  }
0x68: {  	_ =	shalt  }
0x69: {  	_ =	shalt  }
0x6a: {  	_ =	shalt  }
0x6b: {  	_ =	shalt  }
0x6c: {  	_ =	shalt  }
0x6d: {  	_ =	shalt  }
0x6e: {  	_ =	shalt  }
0x6f: {  	_ =	shalt  }
0x70: {  	_ =	shalt  }
0x71: {  	_ =	shalt  }
0x72: {  	_ =	shalt  }
0x73: {  	_ =	shalt  }
0x74: {  	_ =	shalt  }
0x75: {  	_ =	shalt  }
0x76: {  	_ =	shalt  }
0x77: {  	_ =	shalt  }
0x78: {  	_ =	shalt  }
0x79: {  	_ =	shalt  }
0x7a: {  	_ =	shalt  }
0x7b: {  	_ =	shalt  }
0x7c: {  	_ =	shalt  }
0x7d: {  	_ =	shalt  }
0x7e: {  	_ =	shalt  }
0x7f: {  	_ =	shalt  }
0x80: {  	_ =	shalt  }
0x81: {  	_ =	shalt  }
0x82: {  	_ =	shalt  }
0x83: {  	_ =	shalt  }
0x84: {  	_ =	shalt  }
0x85: {  	_ =	shalt  }
0x86: {  	_ =	shalt  }
0x87: {  	_ =	shalt  }
.Lfunc_end0:
.L_simem_size_0:
called_computation_lowered:
.L_overlay_start_0:
0x88: {  	s2 =	sld [smem:$0x3FD9]  }
0x89: {  	s3 =	sld [smem:$0x3FFE];
	_ =	sdelay $0x1  }
0x8a: {  	s1 =	srdreg.scid  }
0x8b: {  	s0 =	sand.u32 $0x1, s1  }
0x8c: {  	s14 =	sshll.u32 s0, $0xA;
	s2 =	sadd.s32 s3, s2  }
0x8d: {  	s2 =	sadd.s32 s2, s14  }
0x8e: {  	[smem:$0x3FC5] =	sst s2  }
0x8f: {  	_ = 	snop  }
0x90: {  	s2 =	sld [smem:$0x3FD0];
	_ =	sdelay $0x2  }
0x91: {  	s15 =	simm.s32 $0xA;
	s4 =	simm.s32 $0x10  }
0x92: {  	[smem:s4], [sflag:s15] =	dma.local [hbm:s2], $0x1  }
0x93: {  	_ =	swait.eq [sflag:s15], $0x1  }
0x94: {  	s16 =	sld [smem:$0x11];
	[sflag:s15] =	ssyncset.done $0x0  }
0x95: {  	s17 =	sld [smem:$0x13];
	[sflag:s15] =	ssyncadd.s32 $0xFFFFFFFF  }
0x96: {  	s18 =	sld [smem:$0x15];
	(tm) =	ssettm $0x1  }
0x97: {  	s5 =	sld [smem:$0x3FFB];
	_ =	sdelay $0x3  }
0x98: {  	_ =	strace s5  }
0x99: {  	s5 =	sld [smem:$0x3FFC];
	_ =	sdelay $0x3  }
0x9a: {  	_ =	strace s5  }
0x9b: {  	s5 =	sld [smem:$0x3FFD];
	_ =	sdelay $0x3  }
0x9c: {  	_ =	strace s5  }
0x9d: {  	_ =	strace $0x8FFFFFFF  }
0x9e: {  	s19 =	sld [smem:$0x3FDB];
	_ =	sdelay $0x1  }
0x9f: {  	s6 =	simm.s32 $_scs_section_size  }
0xa0: {  	s7 =	simm.s32 $_size__tile_overlayer_lowered;
	s8 =	simm.s32 $_tile_overlayer_lowered  }
0xa1: {  	s22 =	simm.s32 $0x1BFF;
	s21 =	sshll.u32 s8, $0x1;
	s5 =	sadd.s32 s6, s19  }
0xa2: {  	s9 =	simm.s32 $0x0;
	s20 =	sshll.u32 s7, $0x1;
	s7 =	sadd.s32 s21, s5  }
0xa3: {  	[timem:s9], [sflag:s22] =	dma.local [hbm:s7], s20  }
0xa4: {  	_ =	swait.ge [sflag:s22], s20  }
0xa5: {  	s6 =	ssub.s32 $0x0, s20;
	[sflag:s22] =	ssyncset.done $0x0  }
0xa6: {  	[sflag:s22] =	ssyncadd.s32 s6;
	_ =	sdelay $0x1  }
0xa7: {  	s23 =	simm.s32 $0x1B8B  }
0xa8: {  	_ =	swait.ge [sflag:s23], $0x1  }
0xa9: {  	[sflag:s23] =	ssyncset.done $0x0  }
0xaa: {  	s25 =	simm.s32 $0x1B8E;
	s24 =	sld [smem:$0x3FFE];
	[sflag:s23] =	ssyncadd.s32 $0xFFFFFFFF  }
0xab: {  	s26 =	simm.s32 $execute0_lowered;
	[smem:$0x3FD2] =	sst s25  }
0xac: {  	s7 =	sshll.u32 s26, $0x1;
	_ =	strace $0x80000046;
	[dreg:$0x1] =	wrdreg $0xFFFFFFFF  }
0xad: {  	s28 =	simm.s32 $_size_execute0_lowered;
	s5 =	sadd.s32 s5, s7;
	[dreg:$0x0] =	wrdreg $0x0  }
0xae: {  	s7 =	sshll.u32 s28, $0x1;
	[dreg:$0x2] =	wrdreg s5  }
0xaf: {  	[dreg:$0x3] =	wrdreg s7  }
0xb0: {  	[dreg:$0x4] =	wrdreg $0xC0  }
0xb1: {  	_ =	task [dreg:s9], $0x5FFFF  }
0xb2: {  	[dreg:$0x1] =	wrdreg $0xFFFFFFFF  }
0xb3: {  	[dreg:$0x0] =	wrdreg $0x60  }
0xb4: {  	[dreg:$0x2] =	wrdreg s24  }
0xb5: {  	[dreg:$0x3] =	wrdreg s16  }
0xb6: {  	[dreg:$0x4] =	wrdreg s17  }
0xb7: {  	[dreg:$0x5] =	wrdreg s18  }
0xb8: {  	[dreg:$0x6] =	wrdreg $0x9  }
0xb9: {  	_ =	task.clear_ibuf [dreg:s9], $0x7FFFF;
	_ =	strace $0x90000046  }
0xba: {  	s29 =	simm.s32 $0x9;
	_ =	strace $0x80000048  }
0xbb: {  	_ =	swait.ge [sflag:s29], $0x1  }
0xbc: {  	[sflag:s29] =	ssyncadd.s32 $0xFFFFFFFF  }
0xbd: {  	_ =	strace $0x90000048  }
0xbe: {  	_ =	sfence  }
0xbf: {  	s30 =	sld [smem:$0x0];
	_ =	sdelay $0x2  }
0xc0: {  	s31 =	sshll.u32 s1, $0xD;
	s1 =	sshrl.u32 s1, $0x2  }
0xc1: {  	s3 =	sand.u32 $0x4000, s31;
	s1 =	sadd.s32 s1, s30  }
0xc2: {  	s0 =	sor.u32 s3, s0;
	s1 =	sshll.u32 s1, $0x11  }
0xc3: {  	s0 =	sor.u32 s1, s0  }
0xc4: {  	s0 =	sadd.s32 $0x8F2B, s0  }
0xc5: {  	[sflag:s0] =	ssyncadd.remote.s32 $0x1  }
0xc6: {  	_ =	sfence.sel $0xFFFF  }
0xc7: {  	[dreg:$0x0] =	wrdreg $0xFFFFFFFF;
	(pc) =	sbr.abs _section_cstart, $3  }
0xc8: {  	[dreg:$0x1] =	wrdreg $0xFFFFFFFF  }
0xc9: {  	_ =	task.clear_ibuf [dreg:s9], $0x2FFFF;
	_ =	strace $0x9FFFFFFF  }
0xca: {  	(tm) =	ssettm $0x7FFFFFFF  }
0xcb: {  	_ =	shalt  }
tec
execute0_lowered:
.L_overlay_start_1:
0x0: {  	(tag) =	ssettag $0x1  }
0x1: {  	s0 =	rddreg [dreg:$0x0]  }
0x2: {  	s1 =	rddreg [dreg:$0x3];
	s3 =	simm.s32 $0x0  }
0x3: {  	s19 =	stileid.u32;
	s2 =	srdreg.scid;
	s17 =	simm.s32 $0x2  }
0x4: {  	s18 =	simm.s32 $0x2810;
	s20 =	simm.s32 $0x600;
	s21 =	simm.s32 $0x810  }
0x5: {  	s22 =	simm.s32 $0x20;
	s23 =	simm.s32 $0x2850;
	s24 =	simm.s32 $0x2830  }
0x6: {  	s28 =	simm.s32 $0x2890;
	s29 =	simm.s32 $0x2A00;
	s30 =	simm.s32 $0x1  }
0x7: {  	s31 =	simm.s32 $0x2910;
	[smem:$0x7FF] =	sst s3;
	s5 =	sadd.s32 $0x3400, s0  }
0x8: {  	s6 =	sadd.s32 $0xC00, s0;
	s7 =	sshll.u32 s19, $0x5;
	s4 =	sand.u32 $0x1, s2  }
0x9: {  	s2 =	smul.u32 $0x500, s19;
	s9 =	sadd.s32 $0x3E00, s0;
	s13 =	sshll.u32 s19, $0x1  }
0xa: {  	s25 =	sshll.u32 s19, $0x6;
	s26 =	sshll.u32 s19, $0x3;
	_ =	strace $0x80000047  }
0xb: {  	s8 =	sadd.s32 s7, s0;
	s10 =	ssub.s32 $0x2, s4;
	s14 =	sadd.s32 s1, s26  }
.Ltmp0:
0xc: {  	p0 =	sne.s32 s4, $0x0;
	s26 =	simm.s32 $0x80;
	(pc) =	sbr.rel .LBB2_1-.Ltmp0, $4  }
0xd: {  	v0 =	vlaneseq.u32;
	s4 =	simm.s32 $0x0;
	s11 =	sshrl.u32 s10, $0x1;
	s12 =	sshrl.u32 s2, $0x3  }
0xe: {  	vm0 =	vmxor vm0, vm0;
	vm2 =	vcmask $0x3F08;
	v2 =	vmul.u32 $0x10, v0;
	s15 =	sadd.s32 $0x4400, s8;
	s16 =	ssub.s32 s10, s11;
	s10 =	sadd.s32 s5, s12  }
0xf: {  	vm3 =	vmmov $0x1;
	v3 =	vimm.s32 $0x0;
	v1 =	vmov s19;
	s11 =	sadd.s32 s9, s13;
	s12 =	sadd.s32 $0x3E20, s0;
	s0 =	simm.s32 $0x2A80  }
0x10: {  	vm1 =	vgt.u32 v1, v0;
	v1 =	vor.u32 $0x500, v2;
	v2 =	vor.u32 $0x501, v2;
	s13 =	sadd.s32 s25, s12;
	s16 =	smax.u32 s16, $0x1;
	s25 =	simm.s32 $0x2870  }
.LBB2_9:
0x11: {  	[bflag:$0x0] =	sbarrier.arrive $0xFFFF  }
0x12: {  	[bflag:$0x0] =	sbarrier.arrive $0xFFFF  }
.LBB2_7:
0x13: {  	s4 =	sadd.s32 $0x1, s4  }
0x14: {  	p1 =	sne.s32 s4, s16  }
.Ltmp1:
0x15: {  	_ = 	snop;
	(pc) =	sbr.rel @!p1 .LBB2_8-.Ltmp1, $1  }
0x16: {  	_ =	sdelay $0x3  }
.LBB2_1:
.Ltmp2:
0x17: {  	(pc) =	sbr.rel @p0 .LBB2_9-.Ltmp2, $1  }
0x18: {  	_ =	sdelay $0x3  }
0x19: {  	s1 =	simm.s32 $0x0  }
0x1a: {  	[tilespmem:s1], [sflag:$0x2] =	stream.linear.gather [hbm4b:s10+s1], $0x500, $0x38;
	[tilespmem:$0x2B00] =	vst v63  }
0x1b: {  	_ =	swait.ge [sflag:s17], $0x500  }
0x1c: {  	[sflag:s17] =	ssyncset.done $0x0  }
0x1d: {  	s8 =	simm.s32 $0x0;
	[sflag:s17] =	ssyncadd.s32 $0xFFFFFB00  }
0x1e: {  	v6 =	vld [tilespmem:s8+$0x0];
	_ =	sdelay $0x2  }
0x1f: {  	v4 =	vimm.s32 $0x0;
	p2 =	slt.u32 s2, $0x4E20;
	v5 =	vimm.s32 $0x0;
	s1 =	simm.s32 $0x40;
	s8 =	smov.u32 s2  }
.LBB2_3:
0x20: {  	vm4 =	vmmov vm0  }
0x21: {  	s19 =	sshra.s32 s1, $0x2;
	p1 =	sne.s32 s1, $0x13C0;
	s1 =	sadd.s32 $0x40, s1;
	vm5 =	vne.s32 v6, $0x50;
	vm6 =	veq.s32 v6, $0x50;
	vm4 =	vmneg @p2 vm4  }
.Ltmp3:
0x22: {  	v6 =	vld [tilespmem:s19+$0x0];
	vm5 =	vmand vm4, vm5;
	vm4 =	vmand vm4, vm6;
	(pc) =	sbr.rel @p1 .LBB2_3-.Ltmp3, $3  }
0x23: {  	v7 =	vmpcnt.ones.xlane vm5;
	v8 =	vmpcnt.ones.xlane vm4;
	_ =	sdelay $0x1  }
0x24: {  	s8 =	sadd.s32 $0x10, s8;
	v4 =	vadd.s32 v4, v7;
	v5 =	vadd.s32 v5, v8  }
0x25: {  	p2 =	slt.u32 s8, $0x4E20  }
0x26: {  	vm4 =	vmmov vm0  }
0x27: {  	vm5 =	veq.s32 v6, $0x50;
	vm4 =	vmneg @p2 vm4  }
0x28: {  	vm6 =	vne.s32 v6, $0x50;
	vm5 =	vmand vm4, vm5  }
0x29: {  	vm4 =	vmand vm4, vm6;
	v6 =	vmpcnt.ones.xlane vm5  }
0x2a: {  	v7 =	vmpcnt.ones.xlane vm4  }
0x2b: {  	v5 =	vadd.s32 v5, v6  }
0x2c: {  	v4 =	vadd.s32 v4, v7;
	v5 =	vsel vm2, $0x0, v5  }
0x2d: {  	v4 =	vsel vm3, v4, v5  }
0x2e: {  	s1 =	simm.s32 $0x0;
	[tilespmem:$0x2810] =	vst v4  }
0x2f: {  	[hbm4b:s11+s1] =	stream.linear.scatter [tilespmem:s18], [sflag:$0x2], $0x10, $0x38;
	[tilespmem:$0x2B00] =	vst v63  }
0x30: {  	_ =	swait.ge [sflag:s17], $0x10  }
0x31: {  	[sflag:s17] =	ssyncset.done $0x0  }
0x32: {  	[sflag:s17] =	ssyncadd.s32 $0xFFFFFFF0  }
0x33: {  	s8 =	simm.s32 $0x500;
	[bflag:$0x0] =	sbarrier.arrive $0xFFFF  }
0x34: {  	[tilespmem:s8], [sflag:$0x2] =	stream.linear.gather [hbm4b:s9+s1], $0x100, $0x38;
	[tilespmem:$0x2B00] =	vst v63  }
0x35: {  	_ =	swait.ge [sflag:s17], $0x100  }
0x36: {  	[sflag:s17] =	ssyncset.done $0x0  }
0x37: {  	[sflag:s17] =	ssyncadd.s32 $0xFFFFFF00  }
0x38: {  	v4 =	vld.idx.msk [tilespmem:v1+s1+$0x0], $0xffff  }
0x39: {  	v5 =	vld.idx.msk [tilespmem:v2+s1+$0x0], $0xffff;
	[tilespmem:$0x600] =	vst v3  }
0x3a: {  	[tilespmem:$0x610] =	vst v3  }
0x3b: {  	[tilespmem:$0x620] =	vst v3  }
0x3c: {  	[tilespmem:$0x630] =	vst v3  }
0x3d: {  	[tilespmem:$0x640] =	vst v3  }
0x3e: {  	[tilespmem:$0x650] =	vst v3  }
0x3f: {  	[tilespmem:$0x660] =	vst v3  }
0x40: {  	[tilespmem:$0x670] =	vst v3  }
0x41: {  	[tilespmem:$0x680] =	vst v3  }
0x42: {  	[tilespmem:$0x690] =	vst v3  }
0x43: {  	[tilespmem:$0x6A0] =	vst v3  }
0x44: {  	[tilespmem:$0x6B0] =	vst v3  }
0x45: {  	[tilespmem:$0x6C0] =	vst v3  }
0x46: {  	[tilespmem:$0x6D0] =	vst v3  }
0x47: {  	[tilespmem:$0x6E0] =	vst v3  }
0x48: {  	[tilespmem:$0x6F0] =	vst v3  }
0x49: {  	[tilespmem:$0x700] =	vst v3  }
0x4a: {  	[tilespmem:$0x710] =	vst v3  }
0x4b: {  	[tilespmem:$0x720] =	vst v3  }
0x4c: {  	[tilespmem:$0x730] =	vst v3  }
0x4d: {  	[tilespmem:$0x740] =	vst v3  }
0x4e: {  	[tilespmem:$0x750] =	vst v3  }
0x4f: {  	[tilespmem:$0x760] =	vst v3  }
0x50: {  	[tilespmem:$0x770] =	vst v3  }
0x51: {  	[tilespmem:$0x780] =	vst v3  }
0x52: {  	[tilespmem:$0x790] =	vst v3  }
0x53: {  	[tilespmem:$0x7A0] =	vst v3  }
0x54: {  	[tilespmem:$0x7B0] =	vst v3  }
0x55: {  	[tilespmem:$0x7C0] =	vst v3  }
0x56: {  	[tilespmem:$0x7D0] =	vst v3  }
0x57: {  	[tilespmem:$0x7E0] =	vst v3  }
0x58: {  	[tilespmem:$0x7F0] =	vst v3  }
0x59: {  	s19 =	simm.s32 $0x0;
	[tilespmem:$0x800] =	vst v3  }
0x5a: {  	v6 =	vld [tilespmem:s19+$0x0]  }
0x5b: {  	v7 =	vnsel vm1, $0x0, v4  }
0x5c: {  	(xrf0) =	vadd.scan.msk.s32 $0xffff, v7;
	v7 =	vnsel vm1, $0x0, v5  }
0x5d: {  	(xrf0) =	vadd.scan.msk.s32 $0xffff, v7  }
0x5e: {  	(xrf0) =	vadd.scan.msk.s32 $0xffff, v4;
	v4 =	vmov s2  }
0x5f: {  	vm4 =	vne.s32 v6, $0x50;
	vm5 =	vlt.u32 v4, $0x4E20  }
0x60: {  	vm6 =	veq.s32 v6, $0x50;
	(xrf0) =	vadd.scan.msk.s32 $0xffff, v5;
	vm4 =	vmand vm5, vm4  }
0x61: {  	vm5 =	vmand vm5, vm6;
	v4 =	vsel vm4, $0x1, v3  }
0x62: {  	v6 =	vsel vm5, $0x1, v3;
	v5, _, _ =	vpop (xrf0);
	(xrf0) =	vadd.scan.msk.s32 $0xffff, v4;
	_ =	sdelay $0x1  }
0x63: {  	v8 =	vbroadcast v5, $0xF;
	v4, _, _ =	vpop (xrf0);
	(xrf0) =	vadd.scan.msk.s32 $0xffff, v6  }
0x64: {  	v7 =	vmpcnt.ones.xlane vm4;
	v11 =	vsel vm4, $0xFFFFFFFF, v3;
	v6, _, _ =	vpop (xrf0)  }
0x65: {  	v10 =	vmpcnt.ones.xlane vm5;
	v9 =	vbroadcast v4, $0xF;
	v11 =	vadd.s32 v11, v8;
	v5, _, _ =	vpop (xrf0)  }
0x66: {  	v4 =	vbroadcast v6, $0xF;
	v6 =	vadd.s32 v8, v7;
	v5 =	vadd.s32 $0x80, v5  }
0x67: {  	v7 =	vadd.s32 v9, v10;
	v10 =	vsel vm5, $0xFFFFFFFF, v3;
	v5 =	vbroadcast v5, $0xF;
	v12, _, _ =	vpop (xrf0)  }
0x68: {  	v8 =	vor.u32 s2, v0;
	v9 =	vadd.s32 v10, v9;
	v10 =	vadd.s32 v12, v11  }
0x69: {  	v11, _, _ =	vpop (xrf0);
	vm6 =	vlt.s32 v10, $0x80;
	vm8 =	vgt.s32 v10, $0x0;
	v13 =	vadd.s32 v10, v5  }
0x6a: {  	v9 =	vadd.s32 v11, v9;
	v12 =	vnsel vm8, $0x0, v10;
	vm6 =	vmand vm4, vm6  }
0x6b: {  	vm10 =	vgt.s32 v13, $0x0;
	v11 =	vadd.s32 v4, v9;
	vm7 =	vlt.s32 v9, $0x180  }
0x6c: {  	v12 =	vmin.u32 v12, $0x200;
	v15 =	vadd.s32 $0x80, v9;
	vm8 =	vgt.s32 v11, $0x0  }
0x6d: {  	v10 =	vadd.s32 $0x600, v12;
	v12 =	vand.u32 $0x7F, v12;
	v14 =	vnsel vm8, $0x0, v11  }
0x6e: {  	vm9 =	vgt.s32 v15, $0x0;
	vm8 =	vlt.s32 v11, $0x80;
	v11 =	vmin.u32 v14, $0x201  }
0x6f: {  	v10 =	vand.u32 $0xF80, v10;
	vm8 =	vmand vm5, vm8;
	v14 =	vadd.s32 $0x600, v11  }
0x70: {  	v10 =	vor.u32 v12, v10;
	v11 =	vand.u32 $0x7F, v11;
	v14 =	vand.u32 $0xF80, v14  }
0x71: {  	v12 =	vnsel vm10, $0x0, v13;
	v9 =	vor.u32 v11, v14;
	v11 =	vnsel vm9, $0x0, v15  }
0x72: {  	vm9 =	vlt.s32 v13, $0x200;
	v13 =	vmin.u32 v11, $0x202;
	v11 =	vmin.u32 v12, $0x203  }
0x73: {  	s8 =	smov.u32 s2;
	s1 =	simm.s32 $0x40;
	v14 =	vadd.s32 $0x600, v13;
	v12 =	vand.u32 $0x7F, v13;
	v13 =	vadd.s32 $0x600, v11  }
.LBB2_5:
0x74: {  	p1 =	seq.s32 s1, $0x13C0  }
0x75: {  	vm5 =	vmand vm5, vm7;
	vm4 =	vmand vm4, vm9;
	v14 =	vand.u32 $0xF80, v14;
	s8 =	sadd.s32 $0x10, s8;
	v15 =	vmovc v6;
	v16 =	vmovc v7;
	s19 =	smov.u32 s1;
	s1 =	sadd.s32 $0x40, s1  }
0x76: {  	v13 =	vand.u32 $0xF80, v13;
	v11 =	vand.u32 $0x7F, v11;
	v12 =	vor.u32 v12, v14  }
0x77: {  	[tilespmem:v10+s3+$0x0] =	vst.idx.msk vm6, v8;
	v10 =	vor.u32 v11, v13  }
0x78: {  	[tilespmem:v9+s3+$0x0] =	vst.idx.msk vm8, v8;
	_ =	sdelay $0x1  }
0x79: {  	s19 =	sshra.s32 s19, $0x2  }
0x7a: {  	[tilespmem:v12+s3+$0x0] =	vst.idx.msk vm5, v8  }
0x7b: {  	[tilespmem:v10+s3+$0x0] =	vst.idx.msk vm4, v8  }
0x7c: {  	v8 =	vld [tilespmem:s19+$0x0];
	_ =	sdelay $0x3  }
0x7d: {  	v9 =	vmov s8  }
0x7e: {  	vm5 =	vlt.u32 v9, $0x4E20;
	vm4 =	vne.s32 v8, $0x50;
	vm6 =	veq.s32 v8, $0x50  }
0x7f: {  	vm4 =	vmand vm5, vm4;
	vm5 =	vmand vm5, vm6  }
0x80: {  	v8 =	vsel vm4, $0x1, v3;
	v9 =	vsel vm5, $0x1, v3;
	v10 =	vmpcnt.ones.xlane vm4  }
0x81: {  	v11 =	vmpcnt.ones.xlane vm5;
	(xrf0) =	vadd.scan.msk.s32 $0xffff, v8  }
0x82: {  	v6 =	vadd.s32 v6, v10;
	(xrf0) =	vadd.scan.msk.s32 $0xffff, v9  }
0x83: {  	v7 =	vadd.s32 v7, v11  }
0x84: {  	v8 =	vsel vm4, $0xFFFFFFFF, v3;
	v9 =	vsel vm5, $0xFFFFFFFF, v3  }
0x85: {  	v10 =	vadd.s32 v8, v15;
	v9 =	vadd.s32 v9, v16;
	_ =	sdelay $0x1  }
0x86: {  	v11, _, _ =	vpop (xrf0)  }
0x87: {  	v8 =	vor.u32 s8, v0;
	v10 =	vadd.s32 v11, v10;
	v11, _, _ =	vpop (xrf0)  }
0x88: {  	v9 =	vadd.s32 v11, v9;
	vm6 =	vlt.s32 v10, $0x80;
	vm8 =	vgt.s32 v10, $0x0  }
0x89: {  	v11 =	vadd.s32 v4, v9;
	vm7 =	vlt.s32 v9, $0x180;
	v12 =	vnsel vm8, $0x0, v10  }
0x8a: {  	vm6 =	vmand vm4, vm6;
	v12 =	vmin.u32 v12, $0x200;
	vm8 =	vgt.s32 v11, $0x0  }
0x8b: {  	v13 =	vadd.s32 v10, v5;
	v10 =	vadd.s32 $0x600, v12;
	v14 =	vnsel vm8, $0x0, v11  }
0x8c: {  	vm8 =	vlt.s32 v11, $0x80;
	v10 =	vand.u32 $0xF80, v10;
	v11 =	vmin.u32 v14, $0x201  }
0x8d: {  	v12 =	vand.u32 $0x7F, v12;
	vm8 =	vmand vm5, vm8;
	v14 =	vadd.s32 $0x600, v11  }
.Ltmp4:
0x8e: {  	v15 =	vadd.s32 $0x80, v9;
	v11 =	vand.u32 $0x7F, v11;
	v14 =	vand.u32 $0xF80, v14;
	(pc) =	sbr.rel @!p1 .LBB2_5-.Ltmp4, $4  }
0x8f: {  	vm10 =	vgt.s32 v13, $0x0;
	vm9 =	vgt.s32 v15, $0x0;
	v9 =	vor.u32 v11, v14  }
0x90: {  	v10 =	vor.u32 v12, v10;
	v12 =	vnsel vm10, $0x0, v13;
	v11 =	vnsel vm9, $0x0, v15  }
0x91: {  	vm9 =	vlt.s32 v13, $0x200;
	v13 =	vmin.u32 v11, $0x202;
	v11 =	vmin.u32 v12, $0x203  }
0x92: {  	v14 =	vadd.s32 $0x600, v13;
	v12 =	vand.u32 $0x7F, v13;
	v13 =	vadd.s32 $0x600, v11  }
0x93: {  	_ = 	snop  }
0x94: {  	vm5 =	vmand vm5, vm7;
	vm4 =	vmand vm4, vm9;
	v4 =	vand.u32 $0xF80, v14  }
0x95: {  	v5 =	vand.u32 $0xF80, v13;
	v6 =	vand.u32 $0x7F, v11;
	v4 =	vor.u32 v12, v4  }
0x96: {  	v5 =	vor.u32 v6, v5;
	_ =	sdelay $0x1  }
0x97: {  	[tilespmem:v10+s3+$0x0] =	vst.idx.msk vm6, v8  }
0x98: {  	[tilespmem:v9+s3+$0x0] =	vst.idx.msk vm8, v8  }
0x99: {  	[tilespmem:v4+s3+$0x0] =	vst.idx.msk vm5, v8  }
0x9a: {  	[tilespmem:v5+s3+$0x0] =	vst.idx.msk vm4, v8  }
0x9b: {  	[hbm4b:s13+s3] =	stream.linear.scatter [tilespmem:s20], [sflag:$0x2], $0x200, $0x38;
	[tilespmem:$0x2B00] =	vst v63  }
0x9c: {  	_ =	swait.ge [sflag:s17], $0x200  }
0x9d: {  	[sflag:s17] =	ssyncset.done $0x0  }
0x9e: {  	[sflag:s17] =	ssyncadd.s32 $0xFFFFFE00  }
0x9f: {  	[bflag:$0x0] =	sbarrier.arrive $0xFFFF  }
0xa0: {  	[tilespmem:s21], [sflag:$0x2] =	stream.linear.gather [hbm4b:s12+s3], $0x2000, $0x38;
	[tilespmem:$0x2B00] =	vst v63  }
0xa1: {  	_ =	swait.ge [sflag:s17], $0x2000  }
0xa2: {  	[sflag:s17] =	ssyncset.done $0x0  }
0xa3: {  	[sflag:s17] =	ssyncadd.s32 $0xFFFFE000  }
0xa4: {  	v4 =	vld [tilespmem:s7+$0x810]  }
0xa5: {  	v5 =	vld [tilespmem:s7+$0x820]  }
0xa6: {  	v37 =	vld [tilespmem:s7+$0xA10]  }
0xa7: {  	v7 =	vld [tilespmem:s7+$0xA20]  }
0xa8: {  	v38 =	vld [tilespmem:s7+$0xC10]  }
0xa9: {  	v39 =	vld [tilespmem:s7+$0xC20]  }
0xaa: {  	v40 =	vld [tilespmem:s7+$0xE10]  }
0xab: {  	v41 =	vld [tilespmem:s7+$0xE20]  }
0xac: {  	v42 =	vld [tilespmem:s7+$0x1010]  }
0xad: {  	v43 =	vld [tilespmem:s7+$0x1020]  }
0xae: {  	v44 =	vld [tilespmem:s7+$0x1210]  }
0xaf: {  	v15 =	vld [tilespmem:s7+$0x1220]  }
0xb0: {  	v16 =	vld [tilespmem:s7+$0x1410]  }
0xb1: {  	v17 =	vld [tilespmem:s7+$0x1420]  }
0xb2: {  	v18 =	vld [tilespmem:s7+$0x1610]  }
0xb3: {  	v19 =	vld [tilespmem:s7+$0x1620]  }
0xb4: {  	v20 =	vld [tilespmem:s7+$0x1810]  }
0xb5: {  	v21 =	vld [tilespmem:s7+$0x1820]  }
0xb6: {  	v22 =	vld [tilespmem:s7+$0x1A10]  }
0xb7: {  	v23 =	vld [tilespmem:s7+$0x1A20]  }
0xb8: {  	v24 =	vld [tilespmem:s7+$0x1C10]  }
0xb9: {  	v45 =	vld [tilespmem:s7+$0x1C20];
	v4 =	vadd.s32 v4, v37  }
0xba: {  	v46 =	vld [tilespmem:s7+$0x1E10];
	v5 =	vadd.s32 v5, v7;
	v4 =	vadd.s32 v38, v4  }
0xbb: {  	v47 =	vld [tilespmem:s7+$0x1E20];
	v5 =	vadd.s32 v39, v5;
	v4 =	vadd.s32 v40, v4  }
0xbc: {  	v48 =	vld [tilespmem:s7+$0x2010];
	v5 =	vadd.s32 v41, v5;
	v4 =	vadd.s32 v42, v4  }
0xbd: {  	v49 =	vld [tilespmem:s7+$0x2020];
	v5 =	vadd.s32 v43, v5;
	v4 =	vadd.s32 v44, v4  }
0xbe: {  	v50 =	vld [tilespmem:s7+$0x2210];
	v5 =	vadd.s32 v15, v5;
	v4 =	vadd.s32 v16, v4  }
0xbf: {  	v51 =	vld [tilespmem:s7+$0x2220];
	v5 =	vadd.s32 v17, v5;
	v4 =	vadd.s32 v18, v4  }
0xc0: {  	v52 =	vld [tilespmem:s7+$0x2410];
	v5 =	vadd.s32 v19, v5;
	v4 =	vadd.s32 v20, v4  }
0xc1: {  	v53 =	vld [tilespmem:s7+$0x2420];
	v5 =	vadd.s32 v21, v5;
	v4 =	vadd.s32 v22, v4  }
0xc2: {  	v54 =	vld [tilespmem:s7+$0x2610];
	v5 =	vadd.s32 v23, v5;
	v4 =	vadd.s32 v24, v4  }
0xc3: {  	v55 =	vld [tilespmem:s7+$0x2620];
	v5 =	vadd.s32 v45, v5;
	v4 =	vadd.s32 v46, v4  }
0xc4: {  	v5 =	vadd.s32 v47, v5;
	v4 =	vadd.s32 v48, v4  }
0xc5: {  	v5 =	vadd.s32 v49, v5;
	v4 =	vadd.s32 v50, v4  }
0xc6: {  	v5 =	vadd.s32 v51, v5;
	v4 =	vadd.s32 v52, v4  }
0xc7: {  	v5 =	vadd.s32 v53, v5;
	v4 =	vadd.s32 v54, v4  }
0xc8: {  	v5 =	vadd.s32 v55, v5;
	vm4 =	vgt.s32 v4, $0x0  }
0xc9: {  	[tilespmem:$0x2810] =	vst v4;
	v4 =	vnsel vm4, $0x0, v4;
	vm4 =	vgt.s32 v5, $0x0  }
0xca: {  	[tilespmem:$0x2820] =	vst v5;
	v4 =	vmin.u32 v4, $0x4FFF;
	v5 =	vnsel vm4, $0x0, v5  }
0xcb: {  	v5 =	vmin.u32 v5, $0x4FFF;
	[tilespmem:$0x2850] =	vst v4  }
0xcc: {  	v4 =	vshll.u32 v4, $0x2;
	[tilespmem:$0x2860] =	vst v5  }
0xcd: {  	[tilespmem:$0x2890] =	vst v4;
	v5 =	vshll.u32 v5, $0x2  }
0xce: {  	v56 =	vor.u32 $0x1, v4;
	[tilespmem:$0x28A0] =	vst v5  }
0xcf: {  	v58 =	vor.u32 $0x2, v4;
	[tilespmem:$0x28B0] =	vst v56  }
0xd0: {  	v4 =	vor.u32 $0x3, v4;
	[tilespmem:$0x28D0] =	vst v58  }
0xd1: {  	v57 =	vor.u32 $0x1, v5;
	[tilespmem:$0x28F0] =	vst v4  }
0xd2: {  	v59 =	vor.u32 $0x2, v5;
	[tilespmem:$0x28C0] =	vst v57  }
0xd3: {  	v4 =	vor.u32 $0x3, v5;
	[tilespmem:$0x28E0] =	vst v59  }
0xd4: {  	[tilespmem:$0x2900] =	vst v4  }
0xd5: {  	[tilespmem:s24], [sflag:$0x1] =	stream.indirect.gather [hbm4b:s5+s22], $0x1, s23, s22, $0xb8;
	[tilespmem:$0x2B00] =	vst v63  }
0xd6: {  	s1 =	rddreg [dreg:$0x1]  }
0xd7: {  	[tilespmem:s25], [sflag:$0x1] =	stream.indirect.gather [hbm4b:s1+s22], $0x1, s23, s22, $0xb8;
	[tilespmem:$0x2B00] =	vst v63  }
0xd8: {  	_ = 	snop  }
0xd9: {  	[tilespmem:s29], [sflag:$0x1] =	stream.indirect.gather [hbm4b:s6+s26], $0x1, s28, s26, $0xb8;
	[tilespmem:$0x2B00] =	vst v63  }
0xda: {  	_ =	swait.ge [sflag:s30], $0x20  }
0xdb: {  	[sflag:s30] =	ssyncset.done $0x0  }
0xdc: {  	[sflag:s30] =	ssyncadd.s32 $0xFFFFFFE0  }
0xdd: {  	_ =	swait.ge [sflag:s30], $0x20  }
0xde: {  	[sflag:s30] =	ssyncset.done $0x0  }
0xdf: {  	[sflag:s30] =	ssyncadd.s32 $0xFFFFFFE0  }
0xe0: {  	_ =	swait.ge [sflag:s30], $0x80  }
0xe1: {  	[sflag:s30] =	ssyncset.done $0x0  }
0xe2: {  	[sflag:s30] =	ssyncadd.s32 $0xFFFFFF80  }
0xe3: {  	v4 =	vld [tilespmem:$0x2870]  }
0xe4: {  	v5 =	vld [tilespmem:$0x2880];
	_ =	sdelay $0x3  }
0xe5: {  	vm4 =	vgt.s32 v4, $0x0  }
0xe6: {  	v4 =	vnsel vm4, $0x0, v4;
	vm4 =	vgt.s32 v5, $0x0  }
0xe7: {  	v4 =	vmin.u32 v4, $0x7F;
	v5 =	vnsel vm4, $0x0, v5  }
0xe8: {  	v5 =	vmin.u32 v5, $0x7F;
	v4 =	vshll.u32 v4, $0x2  }
0xe9: {  	[tilespmem:$0x2910] =	vst v4;
	v5 =	vshll.u32 v5, $0x2  }
0xea: {  	v60 =	vor.u32 $0x1, v4;
	[tilespmem:$0x2920] =	vst v5  }
0xeb: {  	v62 =	vor.u32 $0x2, v4;
	[tilespmem:$0x2930] =	vst v60  }
0xec: {  	v4 =	vor.u32 $0x3, v4;
	[tilespmem:$0x2950] =	vst v62  }
0xed: {  	v61 =	vor.u32 $0x1, v5;
	[tilespmem:$0x2970] =	vst v4  }
0xee: {  	v63 =	vor.u32 $0x2, v5;
	[tilespmem:$0x2940] =	vst v61  }
0xef: {  	v4 =	vor.u32 $0x3, v5;
	[tilespmem:$0x2960] =	vst v63  }
0xf0: {  	s19 =	rddreg [dreg:$0x2];
	[tilespmem:$0x2980] =	vst v4  }
0xf1: {  	[tilespmem:s0], [sflag:$0x1] =	stream.indirect.gather [hbm4b:s19+s26], $0x1, s31, s26, $0xb8;
	[tilespmem:$0x2B00] =	vst v63  }
0xf2: {  	_ =	swait.ge [sflag:s30], $0x80  }
0xf3: {  	[sflag:s30] =	ssyncset.done $0x0  }
0xf4: {  	[sflag:s30] =	ssyncadd.s32 $0xFFFFFF80  }
0xf5: {  	[hbm4b:s14+s3] =	stream.linear.scatter [tilespmem:s18], [sflag:$0x2], $0x40, $0x38;
	[tilespmem:$0x2B00] =	vst v63  }
0xf6: {  	_ =	swait.ge [sflag:s17], $0x40  }
0xf7: {  	[sflag:s17] =	ssyncset.done $0x0  }
.Ltmp5:
0xf8: {  	[sflag:s17] =	ssyncadd.s32 $0xFFFFFFC0;
	(pc) =	sbr.rel .LBB2_7-.Ltmp5, $4  }
0xf9: {  	[hbm4b:s15+s3] =	stream.linear.scatter [tilespmem:s29], [sflag:$0x2], $0x100, $0x38;
	[tilespmem:$0x2B00] =	vst v63  }
0xfa: {  	_ =	swait.ge [sflag:s17], $0x100  }
0xfb: {  	[sflag:s17] =	ssyncset.done $0x0  }
0xfc: {  	[sflag:s17] =	ssyncadd.s32 $0xFFFFFF00  }
.LBB2_8:
0xfd: {  	_ =	sfence.sel $0x180000  }
0xfe: {  	[bflag:$0x0] =	sbarrier.arrive $0xFFFF  }
0xff: {  	_ =	strace $0x90000047  }
0x100: {  	s0 =	stileid.u32;
	[bflag:$0x2] =	sbarrier.arrive $0xFFFF  }
0x101: {  	p0 =	sne.s32 s0, $0x0;
	s0 =	rddreg [dreg:$0x4]  }
0x102: {  	s0 =	sadd.s32 @!p0 $0x100000, s0  }
0x103: {  	[sflag:s0] =	ssyncadd.tile.s32 @!p0 $0x1;
	_ =	shalt  }
.Lfunc_end2:
_tile_overlayer_lowered:
.L_overlay_start_2:
0x104: {  	(tag) =	ssettag $0x2  }
0x105: {  	s0 =	rddreg [dreg:$0x0];
	s2 =	stileid.u32  }
0x106: {  	s1 =	rddreg [dreg:$0x1];
	p0 =	sne.s32 s2, $0x0  }
0x107: {  	s3 =	rddreg [dreg:$0x2];
	[bflag:$0x3] =	sbarrier.arrive $0xFFFF;
	s2 =	simm.s32 @!p0 $0x1C02  }
0x108: {  	[timem:s3], [sflag:s2] =	dma.local @!p0 [hbm:s0], s1  }
0x109: {  	s0 =	simm.s32 @!p0 $0x2  }
0x10a: {  	_ =	swait.ge @!p0 [sflag:s0], s1  }
0x10b: {  	s1 =	ssub.s32 @!p0 $0x0, s1;
	[sflag:s0] =	ssyncset.done @!p0 $0x0  }
0x10c: {  	[sflag:s0] =	ssyncadd.s32 @!p0 s1  }
0x10d: {  	[bflag:$0x3] =	sbarrier.arrive $0xFFFF  }
0x10e: {  	_ =	shalt  }

</sc_bundles>
